<compile_context>
chip_gen: v7x
topology: tpu7x:2x2x1
jax: 0.10.2.dev20260603
libtpu: 0.0.44.dev20260713+nightly
codegen_flags: <defaults>
</compile_context>

<pallas_src>
import functools

import jax
import jax.numpy as jnp
from jax import lax
from jax.experimental import pallas as pl
from jax.experimental.pallas import tpu as pltpu
from jax.experimental.pallas import tpu_sc as plsc

B, P, D = 64, 1024, 768
NC, NS = 2, 16
NW = NC * NS
LANES = 16
PW = P // NW
SUB = 16
NB = 2
NPAIR = 3
G = (B // NB) * (PW // SUB)


def kernel(patch_embeddings, pos_table):
    mesh = plsc.VectorSubcoreMesh(core_axis_name="c", subcore_axis_name="s")

    @functools.partial(
        pl.kernel,
        out_type=jax.ShapeDtypeStruct((B, P, D), jnp.float32),
        mesh=mesh,
        compiler_params=pltpu.CompilerParams(use_tc_tiling_on_sc=True),
        scratch_types=[
            pltpu.VMEM((PW, D), jnp.float32),
            [pltpu.VMEM((SUB, D), jnp.float32)] * (NB * NPAIR),
            [pltpu.SemaphoreType.DMA] * (NB * NPAIR),
            [pltpu.SemaphoreType.DMA] * (NB * NPAIR),
        ],
    )
    def body(x_hbm, pos_hbm, out_hbm, pos_v, bufs, gsem, ssem):
        c = lax.axis_index("c")
        s = lax.axis_index("s")
        w = s * NC + c
        p0 = w * PW
        pltpu.sync_copy(pos_hbm.at[pl.ds(p0, PW)], pos_v)

        def start_gather(g, e):
            h = g % 2
            b = (g // 2) * NB
            rows = pl.ds(p0 + h * SUB, SUB)
            for j in range(NB):
                pltpu.async_copy(
                    x_hbm.at[b + j, rows], bufs[NB * e + j], gsem[NB * e + j]
                )

        def run_group(g, e):
            h = g % 2
            b = (g // 2) * NB
            rows = pl.ds(p0 + h * SUB, SUB)
            for j in range(NB):
                pltpu.make_async_copy(
                    x_hbm.at[b + j, rows], bufs[NB * e + j], gsem[NB * e + j]
                ).wait()

            bA = bufs[NB * e]
            bB = bufs[NB * e + 1]
            prow = h * SUB

            @plsc.parallel_loop(0, SUB, 1)
            def _(r):
                pr = prow + r

                @plsc.parallel_loop(0, D // LANES, 1, unroll=4)
                def _(i):
                    sl = pl.ds(i * LANES, LANES)
                    pv = pos_v[pr, sl]
                    bA[r, sl] = bA[r, sl] + pv
                    bB[r, sl] = bB[r, sl] + pv

            for j in range(NB):
                pltpu.async_copy(
                    bufs[NB * e + j], out_hbm.at[b + j, rows], ssem[NB * e + j]
                )

        def wait_scatter_pair(e2):
            for j in range(NB):
                pltpu.make_async_copy(
                    bufs[NB * e2 + j],
                    out_hbm.at[0, pl.ds(0, SUB)],
                    ssem[NB * e2 + j],
                ).wait()

        start_gather(0, 0)
        start_gather(1, 1)

        def per_iter(u, _):
            for e in range(NPAIR):
                g = NPAIR * u + e
                e2 = (e + 2) % NPAIR
                run_group(g, e)
                if e == 0:
                    @pl.when(u > 0)
                    def _():
                        wait_scatter_pair(e2)
                    start_gather(g + 2, e2)
                else:
                    wait_scatter_pair(e2)

                    @pl.when(g + 2 < G)
                    def _():
                        start_gather(g + 2, e2)
            return 0

        lax.fori_loop(0, (G - 1) // NPAIR, per_iter, 0)

        run_group(G - 1, 0)
        wait_scatter_pair((0 + 2) % NPAIR)
        wait_scatter_pair(0)

    return body(patch_embeddings, pos_table)

# --- scband reference (transcript-rebuilt; emitter-appended) ---
"""Pipeline reference for scband-positional-encoding-28260884807867 (READ-ONLY COPY).

The authoritative reference and input builder live on the scoring server;
editing this copy changes nothing except your own understanding.
"""

import jax, jax.numpy as jnp
import numpy as np

NUM_PATCHES = 1024
EMBED_DIM = 768
BATCH = 64

def setup_inputs(seed: int = 0) -> dict:
    key = jax.random.key(seed)
    k1, k2 = jax.random.split(key)
    patch_embeddings = jax.random.normal(k1, (BATCH, NUM_PATCHES, EMBED_DIM), dtype=jnp.float32)
    # learned positional embedding table (keras Embedding default: uniform init)
    pos_table = jax.random.uniform(k2, (NUM_PATCHES, EMBED_DIM), dtype=jnp.float32, minval=-0.05, maxval=0.05)
    return {"patch_embeddings": patch_embeddings, "pos_table": pos_table}

def reference(patch_embeddings, pos_table):
    positions = jnp.arange(0, NUM_PATCHES, 1)
    pos_emb = jnp.take(pos_table, positions, axis=0)  # embedding lookup -> [num_patches, embed_dim]
    encoded = patch_embeddings + pos_emb[None, :, :]
    return encoded

if __name__ == "__main__":
    import jax
    _d = setup_inputs()
    print(jax.jit(kernel)(*tuple(_d.values())))

</pallas_src>

<mosaic_0001>
#map = affine_map<(d0, d1) -> (0, 0, 0)>
#map1 = affine_map<(d0, d1) -> (0, 0)>
module attributes {stable_mosaic.version = 14 : i64} {
  func.func @body(%arg0: i32, %arg1: i32, %arg2: memref<64x1024x768xf32, #tpu.memory_space<hbm>>, %arg3: memref<1024x768xf32, #tpu.memory_space<hbm>>, %arg4: memref<64x1024x768xf32, #tpu.memory_space<hbm>>, %arg5: memref<32x768xf32, #tpu.memory_space<vmem>>, %arg6: memref<16x768xf32, #tpu.memory_space<vmem>>, %arg7: memref<16x768xf32, #tpu.memory_space<vmem>>, %arg8: memref<16x768xf32, #tpu.memory_space<vmem>>, %arg9: memref<16x768xf32, #tpu.memory_space<vmem>>, %arg10: memref<16x768xf32, #tpu.memory_space<vmem>>, %arg11: memref<16x768xf32, #tpu.memory_space<vmem>>, %arg12: memref<!tpu.dma_semaphore, #tpu.memory_space<semaphore_mem>>, %arg13: memref<!tpu.dma_semaphore, #tpu.memory_space<semaphore_mem>>, %arg14: memref<!tpu.dma_semaphore, #tpu.memory_space<semaphore_mem>>, %arg15: memref<!tpu.dma_semaphore, #tpu.memory_space<semaphore_mem>>, %arg16: memref<!tpu.dma_semaphore, #tpu.memory_space<semaphore_mem>>, %arg17: memref<!tpu.dma_semaphore, #tpu.memory_space<semaphore_mem>>, %arg18: memref<!tpu.dma_semaphore, #tpu.memory_space<semaphore_mem>>, %arg19: memref<!tpu.dma_semaphore, #tpu.memory_space<semaphore_mem>>, %arg20: memref<!tpu.dma_semaphore, #tpu.memory_space<semaphore_mem>>, %arg21: memref<!tpu.dma_semaphore, #tpu.memory_space<semaphore_mem>>, %arg22: memref<!tpu.dma_semaphore, #tpu.memory_space<semaphore_mem>>, %arg23: memref<!tpu.dma_semaphore, #tpu.memory_space<semaphore_mem>>) attributes {dimension_semantics = [#tpu.dimension_semantics<core_parallel>, #tpu.dimension_semantics<subcore_parallel>], iteration_bounds = array<i64: 2, 16>, scalar_prefetch = 0 : i64, scratch_operands = 19 : i64, tpu.core_type = #tpu.core_type<sc_vector_subcore>, window_params = [{transform_indices = #map}, {transform_indices = #map1}, {transform_indices = #map}]} {
    %mul3A = arith.constant 2 : i32
    %mul3A_0 = arith.muli %arg1, %mul3A : i32
    %add3A = arith.addi %mul3A_0, %arg0 : i32
    %mul3A_1 = arith.constant 32 : i32
    %mul3A_2 = arith.muli %add3A, %mul3A_1 : i32
    "tpu.region"() ({
      %run_scoped3A = tpu.sem_alloc : memref<!tpu.dma_semaphore, #tpu.memory_space<semaphore_mem>>
      %dma_start3A_107 = arith.constant 0 : i32
      %dma_start3A_108 = tpu.memref_slice %arg3[%mul3A_2, %dma_start3A_107] : memref<1024x768xf32, #tpu.memory_space<hbm>> -> memref<32x768xf32, #tpu.memory_space<hbm>>
      %dma_start3A_109 = arith.constant 0 : i32
      %dma_start3A_110 = tpu.memref_slice %arg3[%mul3A_2, %dma_start3A_109] : memref<1024x768xf32, #tpu.memory_space<hbm>> -> memref<32x768xf32, #tpu.memory_space<hbm>>
      tpu.enqueue_dma source(%dma_start3A_110 : memref<32x768xf32, #tpu.memory_space<hbm>>) target(%arg5 : memref<32x768xf32, #tpu.memory_space<vmem>>) target_semaphore(%run_scoped3A : memref<!tpu.dma_semaphore, #tpu.memory_space<semaphore_mem>>)
      %dma_wait3A_111 = arith.constant 0 : i32
      %dma_wait3A_112 = tpu.memref_slice %arg3[%mul3A_2, %dma_wait3A_111] : memref<1024x768xf32, #tpu.memory_space<hbm>> -> memref<32x768xf32, #tpu.memory_space<hbm>>
      %dma_wait3A_113 = arith.constant 0 : i32
      %dma_wait3A_114 = tpu.memref_slice %arg3[%mul3A_2, %dma_wait3A_113] : memref<1024x768xf32, #tpu.memory_space<hbm>> -> memref<32x768xf32, #tpu.memory_space<hbm>>
      tpu.wait_dma2 semaphore(%run_scoped3A : memref<!tpu.dma_semaphore, #tpu.memory_space<semaphore_mem>>) src(%dma_wait3A_114 : memref<32x768xf32, #tpu.memory_space<hbm>>) dst(%arg5 : memref<32x768xf32, #tpu.memory_space<vmem>>)
      tpu.yield
    }) : () -> ()
    %add3A_3 = arith.constant 0 : i32
    %add3A_4 = arith.addi %mul3A_2, %add3A_3 : i32
    %dma_start3A = arith.constant 0 : i32
    %dma_start3A_5 = arith.constant 0 : i32
    %dma_start3A_6 = tpu.memref_slice %arg2[%dma_start3A, %add3A_4, %dma_start3A_5] : memref<64x1024x768xf32, #tpu.memory_space<hbm>> -> memref<1x16x768xf32, #tpu.memory_space<hbm>>
    %dma_start3A_7 = tpu.memref_squeeze %dma_start3A_6 : memref<1x16x768xf32, #tpu.memory_space<hbm>> -> memref<16x768xf32, #tpu.memory_space<hbm>>
    %dma_start3A_8 = arith.constant 0 : i32
    %dma_start3A_9 = tpu.memref_slice %arg2[%dma_start3A, %add3A_4, %dma_start3A_8] : memref<64x1024x768xf32, #tpu.memory_space<hbm>> -> memref<1x16x768xf32, #tpu.memory_space<hbm>>
    %dma_start3A_10 = tpu.memref_squeeze %dma_start3A_9 : memref<1x16x768xf32, #tpu.memory_space<hbm>> -> memref<16x768xf32, #tpu.memory_space<hbm>>
    tpu.enqueue_dma source(%dma_start3A_10 : memref<16x768xf32, #tpu.memory_space<hbm>>) target(%arg6 : memref<16x768xf32, #tpu.memory_space<vmem>>) target_semaphore(%arg12 : memref<!tpu.dma_semaphore, #tpu.memory_space<semaphore_mem>>)
    %dma_start3A_11 = arith.constant 1 : i32
    %dma_start3A_12 = arith.constant 0 : i32
    %dma_start3A_13 = tpu.memref_slice %arg2[%dma_start3A_11, %add3A_4, %dma_start3A_12] : memref<64x1024x768xf32, #tpu.memory_space<hbm>> -> memref<1x16x768xf32, #tpu.memory_space<hbm>>
    %dma_start3A_14 = tpu.memref_squeeze %dma_start3A_13 : memref<1x16x768xf32, #tpu.memory_space<hbm>> -> memref<16x768xf32, #tpu.memory_space<hbm>>
    %dma_start3A_15 = arith.constant 0 : i32
    %dma_start3A_16 = tpu.memref_slice %arg2[%dma_start3A_11, %add3A_4, %dma_start3A_15] : memref<64x1024x768xf32, #tpu.memory_space<hbm>> -> memref<1x16x768xf32, #tpu.memory_space<hbm>>
    %dma_start3A_17 = tpu.memref_squeeze %dma_start3A_16 : memref<1x16x768xf32, #tpu.memory_space<hbm>> -> memref<16x768xf32, #tpu.memory_space<hbm>>
    tpu.enqueue_dma source(%dma_start3A_17 : memref<16x768xf32, #tpu.memory_space<hbm>>) target(%arg7 : memref<16x768xf32, #tpu.memory_space<vmem>>) target_semaphore(%arg13 : memref<!tpu.dma_semaphore, #tpu.memory_space<semaphore_mem>>)
    %add3A_18 = arith.constant 16 : i32
    %add3A_19 = arith.addi %mul3A_2, %add3A_18 : i32
    %dma_start3A_20 = arith.constant 0 : i32
    %dma_start3A_21 = arith.constant 0 : i32
    %dma_start3A_22 = tpu.memref_slice %arg2[%dma_start3A_20, %add3A_19, %dma_start3A_21] : memref<64x1024x768xf32, #tpu.memory_space<hbm>> -> memref<1x16x768xf32, #tpu.memory_space<hbm>>
    %dma_start3A_23 = tpu.memref_squeeze %dma_start3A_22 : memref<1x16x768xf32, #tpu.memory_space<hbm>> -> memref<16x768xf32, #tpu.memory_space<hbm>>
    %dma_start3A_24 = arith.constant 0 : i32
    %dma_start3A_25 = tpu.memref_slice %arg2[%dma_start3A_20, %add3A_19, %dma_start3A_24] : memref<64x1024x768xf32, #tpu.memory_space<hbm>> -> memref<1x16x768xf32, #tpu.memory_space<hbm>>
    %dma_start3A_26 = tpu.memref_squeeze %dma_start3A_25 : memref<1x16x768xf32, #tpu.memory_space<hbm>> -> memref<16x768xf32, #tpu.memory_space<hbm>>
    tpu.enqueue_dma source(%dma_start3A_26 : memref<16x768xf32, #tpu.memory_space<hbm>>) target(%arg8 : memref<16x768xf32, #tpu.memory_space<vmem>>) target_semaphore(%arg14 : memref<!tpu.dma_semaphore, #tpu.memory_space<semaphore_mem>>)
    %dma_start3A_27 = arith.constant 1 : i32
    %dma_start3A_28 = arith.constant 0 : i32
    %dma_start3A_29 = tpu.memref_slice %arg2[%dma_start3A_27, %add3A_19, %dma_start3A_28] : memref<64x1024x768xf32, #tpu.memory_space<hbm>> -> memref<1x16x768xf32, #tpu.memory_space<hbm>>
    %dma_start3A_30 = tpu.memref_squeeze %dma_start3A_29 : memref<1x16x768xf32, #tpu.memory_space<hbm>> -> memref<16x768xf32, #tpu.memory_space<hbm>>
    %dma_start3A_31 = arith.constant 0 : i32
    %dma_start3A_32 = tpu.memref_slice %arg2[%dma_start3A_27, %add3A_19, %dma_start3A_31] : memref<64x1024x768xf32, #tpu.memory_space<hbm>> -> memref<1x16x768xf32, #tpu.memory_space<hbm>>
    %dma_start3A_33 = tpu.memref_squeeze %dma_start3A_32 : memref<1x16x768xf32, #tpu.memory_space<hbm>> -> memref<16x768xf32, #tpu.memory_space<hbm>>
    tpu.enqueue_dma source(%dma_start3A_33 : memref<16x768xf32, #tpu.memory_space<hbm>>) target(%arg9 : memref<16x768xf32, #tpu.memory_space<vmem>>) target_semaphore(%arg15 : memref<!tpu.dma_semaphore, #tpu.memory_space<semaphore_mem>>)
    %scan3A = arith.constant 0 : i32
    %scan3A_34 = arith.constant 0 : i32
    %scan3A_35 = arith.constant 21 : i32
    %scan3A_36 = arith.addi %scan3A_34, %scan3A_35 : i32
    %scan3A_37 = arith.constant 1 : i32
    %scan3A_38 = scf.for %scan3A_107 = %scan3A_34 to %scan3A_36 step %scan3A_37 iter_args(%scan3A_108 = %scan3A) -> (i32)  : i32 {
      %mul3A_109 = arith.constant 3 : i32
      %mul3A_110 = arith.muli %mul3A_109, %scan3A_107 : i32
      %add3A_111 = arith.constant 0 : i32
      %add3A_112 = arith.addi %mul3A_110, %add3A_111 : i32
      %jit3A = arith.constant 2 : i32
      %eq3A = arith.constant 0 : i32
      %eq3A_113 = arith.cmpi eq, %jit3A, %eq3A : i32
      %jit3A_114 = arith.constant 1 : i32
      %select_n3A = arith.select %eq3A_113, %jit3A_114, %jit3A : i32
      %rem3A = arith.remsi %add3A_112, %select_n3A : i32
      %ne3A = arith.constant 0 : i32
      %ne3A_115 = arith.cmpi ne, %rem3A, %ne3A : i32
      %lt3A = arith.constant 0 : i32
      %lt3A_116 = arith.cmpi slt, %rem3A, %lt3A : i32
      %lt3A_117 = arith.constant 0 : i32
      %lt3A_118 = arith.cmpi slt, %select_n3A, %lt3A_117 : i32
      %ne3A_119 = arith.xori %lt3A_116, %lt3A_118 : i1
      %and3A = arith.andi %ne3A_119, %ne3A_115 : i1
      %add3A_120 = arith.addi %rem3A, %select_n3A : i32
      %select_n3A_121 = arith.select %and3A, %add3A_120, %rem3A : i32
      %jit3A_122 = arith.constant 2 : i32
      %div3A = arith.divsi %add3A_112, %jit3A_122 : i32
      %sign3A = arith.constant 0 : i32
      %sign3A_123 = arith.cmpi sgt, %add3A_112, %sign3A : i32
      %sign3A_124 = arith.extui %sign3A_123 : i1 to i32
      %sign3A_125 = arith.constant 0 : i32
      %sign3A_126 = arith.cmpi slt, %add3A_112, %sign3A_125 : i32
      %sign3A_127 = arith.extui %sign3A_126 : i1 to i32
      %sign3A_128 = arith.subi %sign3A_124, %sign3A_127 : i32
      %sign3A_129 = arith.constant 0 : i32
      %sign3A_130 = arith.cmpi sgt, %jit3A_122, %sign3A_129 : i32
      %sign3A_131 = arith.extui %sign3A_130 : i1 to i32
      %sign3A_132 = arith.constant 0 : i32
      %sign3A_133 = arith.cmpi slt, %jit3A_122, %sign3A_132 : i32
      %sign3A_134 = arith.extui %sign3A_133 : i1 to i32
      %sign3A_135 = arith.subi %sign3A_131, %sign3A_134 : i32
      %ne3A_136 = arith.cmpi ne, %sign3A_128, %sign3A_135 : i32
      %rem3A_137 = arith.remsi %add3A_112, %jit3A_122 : i32
      %ne3A_138 = arith.constant 0 : i32
      %ne3A_139 = arith.cmpi ne, %rem3A_137, %ne3A_138 : i32
      %and3A_140 = arith.andi %ne3A_136, %ne3A_139 : i1
      %sub3A = arith.constant 1 : i32
      %sub3A_141 = arith.subi %div3A, %sub3A : i32
      %select_n3A_142 = arith.select %and3A_140, %sub3A_141, %div3A : i32
      %mul3A_143 = arith.constant 2 : i32
      %mul3A_144 = arith.muli %select_n3A_142, %mul3A_143 : i32
      %mul3A_145 = arith.constant 16 : i32
      %mul3A_146 = arith.muli %select_n3A_121, %mul3A_145 : i32
      %add3A_147 = arith.addi %mul3A_2, %mul3A_146 : i32
      %add3A_148 = arith.constant 0 : i32
      %add3A_149 = arith.addi %mul3A_144, %add3A_148 : i32
      %dma_wait3A_150 = arith.constant 0 : i32
      %dma_wait3A_151 = tpu.memref_slice %arg2[%add3A_149, %add3A_147, %dma_wait3A_150] : memref<64x1024x768xf32, #tpu.memory_space<hbm>> -> memref<1x16x768xf32, #tpu.memory_space<hbm>>
      %dma_wait3A_152 = tpu.memref_squeeze %dma_wait3A_151 : memref<1x16x768xf32, #tpu.memory_space<hbm>> -> memref<16x768xf32, #tpu.memory_space<hbm>>
      %dma_wait3A_153 = arith.constant 0 : i32
      %dma_wait3A_154 = tpu.memref_slice %arg2[%add3A_149, %add3A_147, %dma_wait3A_153] : memref<64x1024x768xf32, #tpu.memory_space<hbm>> -> memref<1x16x768xf32, #tpu.memory_space<hbm>>
      %dma_wait3A_155 = tpu.memref_squeeze %dma_wait3A_154 : memref<1x16x768xf32, #tpu.memory_space<hbm>> -> memref<16x768xf32, #tpu.memory_space<hbm>>
      tpu.wait_dma2 semaphore(%arg12 : memref<!tpu.dma_semaphore, #tpu.memory_space<semaphore_mem>>) src(%dma_wait3A_155 : memref<16x768xf32, #tpu.memory_space<hbm>>) dst(%arg6 : memref<16x768xf32, #tpu.memory_space<vmem>>)
      %add3A_156 = arith.constant 1 : i32
      %add3A_157 = arith.addi %mul3A_144, %add3A_156 : i32
      %dma_wait3A_158 = arith.constant 0 : i32
      %dma_wait3A_159 = tpu.memref_slice %arg2[%add3A_157, %add3A_147, %dma_wait3A_158] : memref<64x1024x768xf32, #tpu.memory_space<hbm>> -> memref<1x16x768xf32, #tpu.memory_space<hbm>>
      %dma_wait3A_160 = tpu.memref_squeeze %dma_wait3A_159 : memref<1x16x768xf32, #tpu.memory_space<hbm>> -> memref<16x768xf32, #tpu.memory_space<hbm>>
      %dma_wait3A_161 = arith.constant 0 : i32
      %dma_wait3A_162 = tpu.memref_slice %arg2[%add3A_157, %add3A_147, %dma_wait3A_161] : memref<64x1024x768xf32, #tpu.memory_space<hbm>> -> memref<1x16x768xf32, #tpu.memory_space<hbm>>
      %dma_wait3A_163 = tpu.memref_squeeze %dma_wait3A_162 : memref<1x16x768xf32, #tpu.memory_space<hbm>> -> memref<16x768xf32, #tpu.memory_space<hbm>>
      tpu.wait_dma2 semaphore(%arg13 : memref<!tpu.dma_semaphore, #tpu.memory_space<semaphore_mem>>) src(%dma_wait3A_163 : memref<16x768xf32, #tpu.memory_space<hbm>>) dst(%arg7 : memref<16x768xf32, #tpu.memory_space<vmem>>)
      %mul3A_164 = arith.constant 16 : i32
      %mul3A_165 = arith.muli %select_n3A_121, %mul3A_164 : i32
      %parallel_loop3A_166 = arith.constant 0 : i32
      %parallel_loop3A_167 = arith.constant 16 : i32
      %parallel_loop3A_168 = arith.constant 1 : i32
      scf.for %parallel_loop3A_473 = %parallel_loop3A_166 to %parallel_loop3A_167 step %parallel_loop3A_168  : i32 {
        %parallel_loop3A_474 = arith.addi %mul3A_165, %parallel_loop3A_473 : i32
        %parallel_loop3A_475 = arith.constant 0 : i32
        %parallel_loop3A_476 = arith.constant 48 : i32
        %parallel_loop3A_477 = arith.constant 1 : i32
        scf.for %parallel_loop3A_478 = %parallel_loop3A_475 to %parallel_loop3A_476 step %parallel_loop3A_477  : i32 {
          %parallel_loop3A_479 = arith.constant 16 : i32
          %parallel_loop3A_480 = arith.muli %parallel_loop3A_478, %parallel_loop3A_479 : i32
          %parallel_loop3A_481 = arith.index_cast %parallel_loop3A_474 : i32 to index
          %parallel_loop3A_482 = arith.index_cast %parallel_loop3A_480 : i32 to index
          %parallel_loop3A_483 = tpu.vector_load %arg5[%parallel_loop3A_481, %parallel_loop3A_482] {strides = array<i32>} : memref<32x768xf32, #tpu.memory_space<vmem>>, vector<1x16xf32>,
          %parallel_loop3A_484 = vector.shape_cast %parallel_loop3A_483 : vector<1x16xf32> to vector<16xf32>
          %parallel_loop3A_485 = arith.index_cast %parallel_loop3A_473 : i32 to index
          %parallel_loop3A_486 = arith.index_cast %parallel_loop3A_480 : i32 to index
          %parallel_loop3A_487 = tpu.vector_load %arg6[%parallel_loop3A_485, %parallel_loop3A_486] {strides = array<i32>} : memref<16x768xf32, #tpu.memory_space<vmem>>, vector<1x16xf32>,
          %parallel_loop3A_488 = vector.shape_cast %parallel_loop3A_487 : vector<1x16xf32> to vector<16xf32>
          %parallel_loop3A_489 = arith.addf %parallel_loop3A_488, %parallel_loop3A_484 : vector<16xf32>
          %parallel_loop3A_490 = arith.index_cast %parallel_loop3A_473 : i32 to index
          %parallel_loop3A_491 = arith.index_cast %parallel_loop3A_480 : i32 to index
          %parallel_loop3A_492 = tpu.vector_load %arg6[%parallel_loop3A_490, %parallel_loop3A_491] {strides = array<i32>} : memref<16x768xf32, #tpu.memory_space<vmem>>, vector<1x16xf32>,
          %parallel_loop3A_493 = vector.shape_cast %parallel_loop3A_492 : vector<1x16xf32> to vector<16xf32>
          %parallel_loop3A_494 = vector.shape_cast %parallel_loop3A_489 : vector<16xf32> to vector<1x16xf32>
          tpu.vector_store %arg6[%parallel_loop3A_490, %parallel_loop3A_491], %parallel_loop3A_494 {strides = array<i32>} : memref<16x768xf32, #tpu.memory_space<vmem>>, vector<1x16xf32>,
          %parallel_loop3A_495 = arith.index_cast %parallel_loop3A_473 : i32 to index
          %parallel_loop3A_496 = arith.index_cast %parallel_loop3A_480 : i32 to index
          %parallel_loop3A_497 = tpu.vector_load %arg7[%parallel_loop3A_495, %parallel_loop3A_496] {strides = array<i32>} : memref<16x768xf32, #tpu.memory_space<vmem>>, vector<1x16xf32>,
          %parallel_loop3A_498 = vector.shape_cast %parallel_loop3A_497 : vector<1x16xf32> to vector<16xf32>
          %parallel_loop3A_499 = arith.addf %parallel_loop3A_498, %parallel_loop3A_484 : vector<16xf32>
          %parallel_loop3A_500 = arith.index_cast %parallel_loop3A_473 : i32 to index
          %parallel_loop3A_501 = arith.index_cast %parallel_loop3A_480 : i32 to index
          %parallel_loop3A_502 = tpu.vector_load %arg7[%parallel_loop3A_500, %parallel_loop3A_501] {strides = array<i32>} : memref<16x768xf32, #tpu.memory_space<vmem>>, vector<1x16xf32>,
          %parallel_loop3A_503 = vector.shape_cast %parallel_loop3A_502 : vector<1x16xf32> to vector<16xf32>
          %parallel_loop3A_504 = vector.shape_cast %parallel_loop3A_499 : vector<16xf32> to vector<1x16xf32>
          tpu.vector_store %arg7[%parallel_loop3A_500, %parallel_loop3A_501], %parallel_loop3A_504 {strides = array<i32>} : memref<16x768xf32, #tpu.memory_space<vmem>>, vector<1x16xf32>,
        } {sc.loop_unroll_factor = 4 : i64, sc.parallel_access}
      } {sc.loop_unroll_factor = 1 : i64, sc.parallel_access}
      %add3A_169 = arith.constant 0 : i32
      %add3A_170 = arith.addi %mul3A_144, %add3A_169 : i32
      %dma_start3A_171 = arith.constant 0 : i32
      %dma_start3A_172 = tpu.memref_slice %arg4[%add3A_170, %add3A_147, %dma_start3A_171] : memref<64x1024x768xf32, #tpu.memory_space<hbm>> -> memref<1x16x768xf32, #tpu.memory_space<hbm>>
      %dma_start3A_173 = tpu.memref_squeeze %dma_start3A_172 : memref<1x16x768xf32, #tpu.memory_space<hbm>> -> memref<16x768xf32, #tpu.memory_space<hbm>>
      %dma_start3A_174 = arith.constant 0 : i32
      %dma_start3A_175 = tpu.memref_slice %arg4[%add3A_170, %add3A_147, %dma_start3A_174] : memref<64x1024x768xf32, #tpu.memory_space<hbm>> -> memref<1x16x768xf32, #tpu.memory_space<hbm>>
      %dma_start3A_176 = tpu.memref_squeeze %dma_start3A_175 : memref<1x16x768xf32, #tpu.memory_space<hbm>> -> memref<16x768xf32, #tpu.memory_space<hbm>>
      tpu.enqueue_dma source(%arg6 : memref<16x768xf32, #tpu.memory_space<vmem>>) target(%dma_start3A_176 : memref<16x768xf32, #tpu.memory_space<hbm>>) target_semaphore(%arg18 : memref<!tpu.dma_semaphore, #tpu.memory_space<semaphore_mem>>)
      %add3A_177 = arith.constant 1 : i32
      %add3A_178 = arith.addi %mul3A_144, %add3A_177 : i32
      %dma_start3A_179 = arith.constant 0 : i32
      %dma_start3A_180 = tpu.memref_slice %arg4[%add3A_178, %add3A_147, %dma_start3A_179] : memref<64x1024x768xf32, #tpu.memory_space<hbm>> -> memref<1x16x768xf32, #tpu.memory_space<hbm>>
      %dma_start3A_181 = tpu.memref_squeeze %dma_start3A_180 : memref<1x16x768xf32, #tpu.memory_space<hbm>> -> memref<16x768xf32, #tpu.memory_space<hbm>>
      %dma_start3A_182 = arith.constant 0 : i32
      %dma_start3A_183 = tpu.memref_slice %arg4[%add3A_178, %add3A_147, %dma_start3A_182] : memref<64x1024x768xf32, #tpu.memory_space<hbm>> -> memref<1x16x768xf32, #tpu.memory_space<hbm>>
      %dma_start3A_184 = tpu.memref_squeeze %dma_start3A_183 : memref<1x16x768xf32, #tpu.memory_space<hbm>> -> memref<16x768xf32, #tpu.memory_space<hbm>>
      tpu.enqueue_dma source(%arg7 : memref<16x768xf32, #tpu.memory_space<vmem>>) target(%dma_start3A_184 : memref<16x768xf32, #tpu.memory_space<hbm>>) target_semaphore(%arg19 : memref<!tpu.dma_semaphore, #tpu.memory_space<semaphore_mem>>)
      %gt3A = arith.constant 0 : i32
      %gt3A_185 = arith.cmpi sgt, %scan3A_107, %gt3A : i32
      %convert_element_type3A = arith.extui %gt3A_185 : i1 to i32
      %cond3A = arith.constant 0 : i32
      %cond3A_186 = arith.cmpi ne, %convert_element_type3A, %cond3A : i32
      scf.if %cond3A_186 {
        %dma_wait3A_473 = arith.constant 0 : i32
        %dma_wait3A_474 = arith.constant 0 : i32
        %dma_wait3A_475 = arith.constant 0 : i32
        %dma_wait3A_476 = tpu.memref_slice %arg4[%dma_wait3A_473, %dma_wait3A_474, %dma_wait3A_475] : memref<64x1024x768xf32, #tpu.memory_space<hbm>> -> memref<1x16x768xf32, #tpu.memory_space<hbm>>
        %dma_wait3A_477 = tpu.memref_squeeze %dma_wait3A_476 : memref<1x16x768xf32, #tpu.memory_space<hbm>> -> memref<16x768xf32, #tpu.memory_space<hbm>>
        %dma_wait3A_478 = arith.constant 0 : i32
        %dma_wait3A_479 = arith.constant 0 : i32
        %dma_wait3A_480 = tpu.memref_slice %arg4[%dma_wait3A_473, %dma_wait3A_478, %dma_wait3A_479] : memref<64x1024x768xf32, #tpu.memory_space<hbm>> -> memref<1x16x768xf32, #tpu.memory_space<hbm>>
        %dma_wait3A_481 = tpu.memref_squeeze %dma_wait3A_480 : memref<1x16x768xf32, #tpu.memory_space<hbm>> -> memref<16x768xf32, #tpu.memory_space<hbm>>
        tpu.wait_dma2 semaphore(%arg22 : memref<!tpu.dma_semaphore, #tpu.memory_space<semaphore_mem>>) src(%arg10 : memref<16x768xf32, #tpu.memory_space<vmem>>) dst(%dma_wait3A_481 : memref<16x768xf32, #tpu.memory_space<hbm>>)
        %dma_wait3A_482 = arith.constant 0 : i32
        %dma_wait3A_483 = arith.constant 0 : i32
        %dma_wait3A_484 = arith.constant 0 : i32
        %dma_wait3A_485 = tpu.memref_slice %arg4[%dma_wait3A_482, %dma_wait3A_483, %dma_wait3A_484] : memref<64x1024x768xf32, #tpu.memory_space<hbm>> -> memref<1x16x768xf32, #tpu.memory_space<hbm>>
        %dma_wait3A_486 = tpu.memref_squeeze %dma_wait3A_485 : memref<1x16x768xf32, #tpu.memory_space<hbm>> -> memref<16x768xf32, #tpu.memory_space<hbm>>
        %dma_wait3A_487 = arith.constant 0 : i32
        %dma_wait3A_488 = arith.constant 0 : i32
        %dma_wait3A_489 = tpu.memref_slice %arg4[%dma_wait3A_482, %dma_wait3A_487, %dma_wait3A_488] : memref<64x1024x768xf32, #tpu.memory_space<hbm>> -> memref<1x16x768xf32, #tpu.memory_space<hbm>>
        %dma_wait3A_490 = tpu.memref_squeeze %dma_wait3A_489 : memref<1x16x768xf32, #tpu.memory_space<hbm>> -> memref<16x768xf32, #tpu.memory_space<hbm>>
        tpu.wait_dma2 semaphore(%arg23 : memref<!tpu.dma_semaphore, #tpu.memory_space<semaphore_mem>>) src(%arg11 : memref<16x768xf32, #tpu.memory_space<vmem>>) dst(%dma_wait3A_490 : memref<16x768xf32, #tpu.memory_space<hbm>>)
      } else {
      }
      %add3A_187 = arith.constant 2 : i32
      %add3A_188 = arith.addi %add3A_112, %add3A_187 : i32
      %jit3A_189 = arith.constant 2 : i32
      %eq3A_190 = arith.constant 0 : i32
      %eq3A_191 = arith.cmpi eq, %jit3A_189, %eq3A_190 : i32
      %jit3A_192 = arith.constant 1 : i32
      %select_n3A_193 = arith.select %eq3A_191, %jit3A_192, %jit3A_189 : i32
      %rem3A_194 = arith.remsi %add3A_188, %select_n3A_193 : i32
      %ne3A_195 = arith.constant 0 : i32
      %ne3A_196 = arith.cmpi ne, %rem3A_194, %ne3A_195 : i32
      %lt3A_197 = arith.constant 0 : i32
      %lt3A_198 = arith.cmpi slt, %rem3A_194, %lt3A_197 : i32
      %lt3A_199 = arith.constant 0 : i32
      %lt3A_200 = arith.cmpi slt, %select_n3A_193, %lt3A_199 : i32
      %ne3A_201 = arith.xori %lt3A_198, %lt3A_200 : i1
      %and3A_202 = arith.andi %ne3A_201, %ne3A_196 : i1
      %add3A_203 = arith.addi %rem3A_194, %select_n3A_193 : i32
      %select_n3A_204 = arith.select %and3A_202, %add3A_203, %rem3A_194 : i32
      %jit3A_205 = arith.constant 2 : i32
      %div3A_206 = arith.divsi %add3A_188, %jit3A_205 : i32
      %sign3A_207 = arith.constant 0 : i32
      %sign3A_208 = arith.cmpi sgt, %add3A_188, %sign3A_207 : i32
      %sign3A_209 = arith.extui %sign3A_208 : i1 to i32
      %sign3A_210 = arith.constant 0 : i32
      %sign3A_211 = arith.cmpi slt, %add3A_188, %sign3A_210 : i32
      %sign3A_212 = arith.extui %sign3A_211 : i1 to i32
      %sign3A_213 = arith.subi %sign3A_209, %sign3A_212 : i32
      %sign3A_214 = arith.constant 0 : i32
      %sign3A_215 = arith.cmpi sgt, %jit3A_205, %sign3A_214 : i32
      %sign3A_216 = arith.extui %sign3A_215 : i1 to i32
      %sign3A_217 = arith.constant 0 : i32
      %sign3A_218 = arith.cmpi slt, %jit3A_205, %sign3A_217 : i32
      %sign3A_219 = arith.extui %sign3A_218 : i1 to i32
      %sign3A_220 = arith.subi %sign3A_216, %sign3A_219 : i32
      %ne3A_221 = arith.cmpi ne, %sign3A_213, %sign3A_220 : i32
      %rem3A_222 = arith.remsi %add3A_188, %jit3A_205 : i32
      %ne3A_223 = arith.constant 0 : i32
      %ne3A_224 = arith.cmpi ne, %rem3A_222, %ne3A_223 : i32
      %and3A_225 = arith.andi %ne3A_221, %ne3A_224 : i1
      %sub3A_226 = arith.constant 1 : i32
      %sub3A_227 = arith.subi %div3A_206, %sub3A_226 : i32
      %select_n3A_228 = arith.select %and3A_225, %sub3A_227, %div3A_206 : i32
      %mul3A_229 = arith.constant 2 : i32
      %mul3A_230 = arith.muli %select_n3A_228, %mul3A_229 : i32
      %mul3A_231 = arith.constant 16 : i32
      %mul3A_232 = arith.muli %select_n3A_204, %mul3A_231 : i32
      %add3A_233 = arith.addi %mul3A_2, %mul3A_232 : i32
      %add3A_234 = arith.constant 0 : i32
      %add3A_235 = arith.addi %mul3A_230, %add3A_234 : i32
      %dma_start3A_236 = arith.constant 0 : i32
      %dma_start3A_237 = tpu.memref_slice %arg2[%add3A_235, %add3A_233, %dma_start3A_236] : memref<64x1024x768xf32, #tpu.memory_space<hbm>> -> memref<1x16x768xf32, #tpu.memory_space<hbm>>
      %dma_start3A_238 = tpu.memref_squeeze %dma_start3A_237 : memref<1x16x768xf32, #tpu.memory_space<hbm>> -> memref<16x768xf32, #tpu.memory_space<hbm>>
      %dma_start3A_239 = arith.constant 0 : i32
      %dma_start3A_240 = tpu.memref_slice %arg2[%add3A_235, %add3A_233, %dma_start3A_239] : memref<64x1024x768xf32, #tpu.memory_space<hbm>> -> memref<1x16x768xf32, #tpu.memory_space<hbm>>
      %dma_start3A_241 = tpu.memref_squeeze %dma_start3A_240 : memref<1x16x768xf32, #tpu.memory_space<hbm>> -> memref<16x768xf32, #tpu.memory_space<hbm>>
      tpu.enqueue_dma source(%dma_start3A_241 : memref<16x768xf32, #tpu.memory_space<hbm>>) target(%arg10 : memref<16x768xf32, #tpu.memory_space<vmem>>) target_semaphore(%arg16 : memref<!tpu.dma_semaphore, #tpu.memory_space<semaphore_mem>>)
      %add3A_242 = arith.constant 1 : i32
      %add3A_243 = arith.addi %mul3A_230, %add3A_242 : i32
      %dma_start3A_244 = arith.constant 0 : i32
      %dma_start3A_245 = tpu.memref_slice %arg2[%add3A_243, %add3A_233, %dma_start3A_244] : memref<64x1024x768xf32, #tpu.memory_space<hbm>> -> memref<1x16x768xf32, #tpu.memory_space<hbm>>
      %dma_start3A_246 = tpu.memref_squeeze %dma_start3A_245 : memref<1x16x768xf32, #tpu.memory_space<hbm>> -> memref<16x768xf32, #tpu.memory_space<hbm>>
      %dma_start3A_247 = arith.constant 0 : i32
      %dma_start3A_248 = tpu.memref_slice %arg2[%add3A_243, %add3A_233, %dma_start3A_247] : memref<64x1024x768xf32, #tpu.memory_space<hbm>> -> memref<1x16x768xf32, #tpu.memory_space<hbm>>
      %dma_start3A_249 = tpu.memref_squeeze %dma_start3A_248 : memref<1x16x768xf32, #tpu.memory_space<hbm>> -> memref<16x768xf32, #tpu.memory_space<hbm>>
      tpu.enqueue_dma source(%dma_start3A_249 : memref<16x768xf32, #tpu.memory_space<hbm>>) target(%arg11 : memref<16x768xf32, #tpu.memory_space<vmem>>) target_semaphore(%arg17 : memref<!tpu.dma_semaphore, #tpu.memory_space<semaphore_mem>>)
      %mul3A_250 = arith.constant 3 : i32
      %mul3A_251 = arith.muli %mul3A_250, %scan3A_107 : i32
      %add3A_252 = arith.constant 1 : i32
      %add3A_253 = arith.addi %mul3A_251, %add3A_252 : i32
      %jit3A_254 = arith.constant 2 : i32
      %eq3A_255 = arith.constant 0 : i32
      %eq3A_256 = arith.cmpi eq, %jit3A_254, %eq3A_255 : i32
      %jit3A_257 = arith.constant 1 : i32
      %select_n3A_258 = arith.select %eq3A_256, %jit3A_257, %jit3A_254 : i32
      %rem3A_259 = arith.remsi %add3A_253, %select_n3A_258 : i32
      %ne3A_260 = arith.constant 0 : i32
      %ne3A_261 = arith.cmpi ne, %rem3A_259, %ne3A_260 : i32
      %lt3A_262 = arith.constant 0 : i32
      %lt3A_263 = arith.cmpi slt, %rem3A_259, %lt3A_262 : i32
      %lt3A_264 = arith.constant 0 : i32
      %lt3A_265 = arith.cmpi slt, %select_n3A_258, %lt3A_264 : i32
      %ne3A_266 = arith.xori %lt3A_263, %lt3A_265 : i1
      %and3A_267 = arith.andi %ne3A_266, %ne3A_261 : i1
      %add3A_268 = arith.addi %rem3A_259, %select_n3A_258 : i32
      %select_n3A_269 = arith.select %and3A_267, %add3A_268, %rem3A_259 : i32
      %jit3A_270 = arith.constant 2 : i32
      %div3A_271 = arith.divsi %add3A_253, %jit3A_270 : i32
      %sign3A_272 = arith.constant 0 : i32
      %sign3A_273 = arith.cmpi sgt, %add3A_253, %sign3A_272 : i32
      %sign3A_274 = arith.extui %sign3A_273 : i1 to i32
      %sign3A_275 = arith.constant 0 : i32
      %sign3A_276 = arith.cmpi slt, %add3A_253, %sign3A_275 : i32
      %sign3A_277 = arith.extui %sign3A_276 : i1 to i32
      %sign3A_278 = arith.subi %sign3A_274, %sign3A_277 : i32
      %sign3A_279 = arith.constant 0 : i32
      %sign3A_280 = arith.cmpi sgt, %jit3A_270, %sign3A_279 : i32
      %sign3A_281 = arith.extui %sign3A_280 : i1 to i32
      %sign3A_282 = arith.constant 0 : i32
      %sign3A_283 = arith.cmpi slt, %jit3A_270, %sign3A_282 : i32
      %sign3A_284 = arith.extui %sign3A_283 : i1 to i32
      %sign3A_285 = arith.subi %sign3A_281, %sign3A_284 : i32
      %ne3A_286 = arith.cmpi ne, %sign3A_278, %sign3A_285 : i32
      %rem3A_287 = arith.remsi %add3A_253, %jit3A_270 : i32
      %ne3A_288 = arith.constant 0 : i32
      %ne3A_289 = arith.cmpi ne, %rem3A_287, %ne3A_288 : i32
      %and3A_290 = arith.andi %ne3A_286, %ne3A_289 : i1
      %sub3A_291 = arith.constant 1 : i32
      %sub3A_292 = arith.subi %div3A_271, %sub3A_291 : i32
      %select_n3A_293 = arith.select %and3A_290, %sub3A_292, %div3A_271 : i32
      %mul3A_294 = arith.constant 2 : i32
      %mul3A_295 = arith.muli %select_n3A_293, %mul3A_294 : i32
      %mul3A_296 = arith.constant 16 : i32
      %mul3A_297 = arith.muli %select_n3A_269, %mul3A_296 : i32
      %add3A_298 = arith.addi %mul3A_2, %mul3A_297 : i32
      %add3A_299 = arith.constant 0 : i32
      %add3A_300 = arith.addi %mul3A_295, %add3A_299 : i32
      %dma_wait3A_301 = arith.constant 0 : i32
      %dma_wait3A_302 = tpu.memref_slice %arg2[%add3A_300, %add3A_298, %dma_wait3A_301] : memref<64x1024x768xf32, #tpu.memory_space<hbm>> -> memref<1x16x768xf32, #tpu.memory_space<hbm>>
      %dma_wait3A_303 = tpu.memref_squeeze %dma_wait3A_302 : memref<1x16x768xf32, #tpu.memory_space<hbm>> -> memref<16x768xf32, #tpu.memory_space<hbm>>
      %dma_wait3A_304 = arith.constant 0 : i32
      %dma_wait3A_305 = tpu.memref_slice %arg2[%add3A_300, %add3A_298, %dma_wait3A_304] : memref<64x1024x768xf32, #tpu.memory_space<hbm>> -> memref<1x16x768xf32, #tpu.memory_space<hbm>>
      %dma_wait3A_306 = tpu.memref_squeeze %dma_wait3A_305 : memref<1x16x768xf32, #tpu.memory_space<hbm>> -> memref<16x768xf32, #tpu.memory_space<hbm>>
      tpu.wait_dma2 semaphore(%arg14 : memref<!tpu.dma_semaphore, #tpu.memory_space<semaphore_mem>>) src(%dma_wait3A_306 : memref<16x768xf32, #tpu.memory_space<hbm>>) dst(%arg8 : memref<16x768xf32, #tpu.memory_space<vmem>>)
      %add3A_307 = arith.constant 1 : i32
      %add3A_308 = arith.addi %mul3A_295, %add3A_307 : i32
      %dma_wait3A_309 = arith.constant 0 : i32
      %dma_wait3A_310 = tpu.memref_slice %arg2[%add3A_308, %add3A_298, %dma_wait3A_309] : memref<64x1024x768xf32, #tpu.memory_space<hbm>> -> memref<1x16x768xf32, #tpu.memory_space<hbm>>
      %dma_wait3A_311 = tpu.memref_squeeze %dma_wait3A_310 : memref<1x16x768xf32, #tpu.memory_space<hbm>> -> memref<16x768xf32, #tpu.memory_space<hbm>>
      %dma_wait3A_312 = arith.constant 0 : i32
      %dma_wait3A_313 = tpu.memref_slice %arg2[%add3A_308, %add3A_298, %dma_wait3A_312] : memref<64x1024x768xf32, #tpu.memory_space<hbm>> -> memref<1x16x768xf32, #tpu.memory_space<hbm>>
      %dma_wait3A_314 = tpu.memref_squeeze %dma_wait3A_313 : memref<1x16x768xf32, #tpu.memory_space<hbm>> -> memref<16x768xf32, #tpu.memory_space<hbm>>
      tpu.wait_dma2 semaphore(%arg15 : memref<!tpu.dma_semaphore, #tpu.memory_space<semaphore_mem>>) src(%dma_wait3A_314 : memref<16x768xf32, #tpu.memory_space<hbm>>) dst(%arg9 : memref<16x768xf32, #tpu.memory_space<vmem>>)
      %mul3A_315 = arith.constant 16 : i32
      %mul3A_316 = arith.muli %select_n3A_269, %mul3A_315 : i32
      %parallel_loop3A_317 = arith.constant 0 : i32
      %parallel_loop3A_318 = arith.constant 16 : i32
      %parallel_loop3A_319 = arith.constant 1 : i32
      scf.for %parallel_loop3A_473 = %parallel_loop3A_317 to %parallel_loop3A_318 step %parallel_loop3A_319  : i32 {
        %parallel_loop3A_474 = arith.addi %mul3A_316, %parallel_loop3A_473 : i32
        %parallel_loop3A_475 = arith.constant 0 : i32
        %parallel_loop3A_476 = arith.constant 48 : i32
        %parallel_loop3A_477 = arith.constant 1 : i32
        scf.for %parallel_loop3A_478 = %parallel_loop3A_475 to %parallel_loop3A_476 step %parallel_loop3A_477  : i32 {
          %parallel_loop3A_479 = arith.constant 16 : i32
          %parallel_loop3A_480 = arith.muli %parallel_loop3A_478, %parallel_loop3A_479 : i32
          %parallel_loop3A_481 = arith.index_cast %parallel_loop3A_474 : i32 to index
          %parallel_loop3A_482 = arith.index_cast %parallel_loop3A_480 : i32 to index
          %parallel_loop3A_483 = tpu.vector_load %arg5[%parallel_loop3A_481, %parallel_loop3A_482] {strides = array<i32>} : memref<32x768xf32, #tpu.memory_space<vmem>>, vector<1x16xf32>,
          %parallel_loop3A_484 = vector.shape_cast %parallel_loop3A_483 : vector<1x16xf32> to vector<16xf32>
          %parallel_loop3A_485 = arith.index_cast %parallel_loop3A_473 : i32 to index
          %parallel_loop3A_486 = arith.index_cast %parallel_loop3A_480 : i32 to index
          %parallel_loop3A_487 = tpu.vector_load %arg8[%parallel_loop3A_485, %parallel_loop3A_486] {strides = array<i32>} : memref<16x768xf32, #tpu.memory_space<vmem>>, vector<1x16xf32>,
          %parallel_loop3A_488 = vector.shape_cast %parallel_loop3A_487 : vector<1x16xf32> to vector<16xf32>
          %parallel_loop3A_489 = arith.addf %parallel_loop3A_488, %parallel_loop3A_484 : vector<16xf32>
          %parallel_loop3A_490 = arith.index_cast %parallel_loop3A_473 : i32 to index
          %parallel_loop3A_491 = arith.index_cast %parallel_loop3A_480 : i32 to index
          %parallel_loop3A_492 = tpu.vector_load %arg8[%parallel_loop3A_490, %parallel_loop3A_491] {strides = array<i32>} : memref<16x768xf32, #tpu.memory_space<vmem>>, vector<1x16xf32>,
          %parallel_loop3A_493 = vector.shape_cast %parallel_loop3A_492 : vector<1x16xf32> to vector<16xf32>
          %parallel_loop3A_494 = vector.shape_cast %parallel_loop3A_489 : vector<16xf32> to vector<1x16xf32>
          tpu.vector_store %arg8[%parallel_loop3A_490, %parallel_loop3A_491], %parallel_loop3A_494 {strides = array<i32>} : memref<16x768xf32, #tpu.memory_space<vmem>>, vector<1x16xf32>,
          %parallel_loop3A_495 = arith.index_cast %parallel_loop3A_473 : i32 to index
          %parallel_loop3A_496 = arith.index_cast %parallel_loop3A_480 : i32 to index
          %parallel_loop3A_497 = tpu.vector_load %arg9[%parallel_loop3A_495, %parallel_loop3A_496] {strides = array<i32>} : memref<16x768xf32, #tpu.memory_space<vmem>>, vector<1x16xf32>,
          %parallel_loop3A_498 = vector.shape_cast %parallel_loop3A_497 : vector<1x16xf32> to vector<16xf32>
          %parallel_loop3A_499 = arith.addf %parallel_loop3A_498, %parallel_loop3A_484 : vector<16xf32>
          %parallel_loop3A_500 = arith.index_cast %parallel_loop3A_473 : i32 to index
          %parallel_loop3A_501 = arith.index_cast %parallel_loop3A_480 : i32 to index
          %parallel_loop3A_502 = tpu.vector_load %arg9[%parallel_loop3A_500, %parallel_loop3A_501] {strides = array<i32>} : memref<16x768xf32, #tpu.memory_space<vmem>>, vector<1x16xf32>,
          %parallel_loop3A_503 = vector.shape_cast %parallel_loop3A_502 : vector<1x16xf32> to vector<16xf32>
          %parallel_loop3A_504 = vector.shape_cast %parallel_loop3A_499 : vector<16xf32> to vector<1x16xf32>
          tpu.vector_store %arg9[%parallel_loop3A_500, %parallel_loop3A_501], %parallel_loop3A_504 {strides = array<i32>} : memref<16x768xf32, #tpu.memory_space<vmem>>, vector<1x16xf32>,
        } {sc.loop_unroll_factor = 4 : i64, sc.parallel_access}
      } {sc.loop_unroll_factor = 1 : i64, sc.parallel_access}
      %add3A_320 = arith.constant 0 : i32
      %add3A_321 = arith.addi %mul3A_295, %add3A_320 : i32
      %dma_start3A_322 = arith.constant 0 : i32
      %dma_start3A_323 = tpu.memref_slice %arg4[%add3A_321, %add3A_298, %dma_start3A_322] : memref<64x1024x768xf32, #tpu.memory_space<hbm>> -> memref<1x16x768xf32, #tpu.memory_space<hbm>>
      %dma_start3A_324 = tpu.memref_squeeze %dma_start3A_323 : memref<1x16x768xf32, #tpu.memory_space<hbm>> -> memref<16x768xf32, #tpu.memory_space<hbm>>
      %dma_start3A_325 = arith.constant 0 : i32
      %dma_start3A_326 = tpu.memref_slice %arg4[%add3A_321, %add3A_298, %dma_start3A_325] : memref<64x1024x768xf32, #tpu.memory_space<hbm>> -> memref<1x16x768xf32, #tpu.memory_space<hbm>>
      %dma_start3A_327 = tpu.memref_squeeze %dma_start3A_326 : memref<1x16x768xf32, #tpu.memory_space<hbm>> -> memref<16x768xf32, #tpu.memory_space<hbm>>
      tpu.enqueue_dma source(%arg8 : memref<16x768xf32, #tpu.memory_space<vmem>>) target(%dma_start3A_327 : memref<16x768xf32, #tpu.memory_space<hbm>>) target_semaphore(%arg20 : memref<!tpu.dma_semaphore, #tpu.memory_space<semaphore_mem>>)
      %add3A_328 = arith.constant 1 : i32
      %add3A_329 = arith.addi %mul3A_295, %add3A_328 : i32
      %dma_start3A_330 = arith.constant 0 : i32
      %dma_start3A_331 = tpu.memref_slice %arg4[%add3A_329, %add3A_298, %dma_start3A_330] : memref<64x1024x768xf32, #tpu.memory_space<hbm>> -> memref<1x16x768xf32, #tpu.memory_space<hbm>>
      %dma_start3A_332 = tpu.memref_squeeze %dma_start3A_331 : memref<1x16x768xf32, #tpu.memory_space<hbm>> -> memref<16x768xf32, #tpu.memory_space<hbm>>
      %dma_start3A_333 = arith.constant 0 : i32
      %dma_start3A_334 = tpu.memref_slice %arg4[%add3A_329, %add3A_298, %dma_start3A_333] : memref<64x1024x768xf32, #tpu.memory_space<hbm>> -> memref<1x16x768xf32, #tpu.memory_space<hbm>>
      %dma_start3A_335 = tpu.memref_squeeze %dma_start3A_334 : memref<1x16x768xf32, #tpu.memory_space<hbm>> -> memref<16x768xf32, #tpu.memory_space<hbm>>
      tpu.enqueue_dma source(%arg9 : memref<16x768xf32, #tpu.memory_space<vmem>>) target(%dma_start3A_335 : memref<16x768xf32, #tpu.memory_space<hbm>>) target_semaphore(%arg21 : memref<!tpu.dma_semaphore, #tpu.memory_space<semaphore_mem>>)
      %dma_wait3A_336 = arith.constant 0 : i32
      %dma_wait3A_337 = arith.constant 0 : i32
      %dma_wait3A_338 = arith.constant 0 : i32
      %dma_wait3A_339 = tpu.memref_slice %arg4[%dma_wait3A_336, %dma_wait3A_337, %dma_wait3A_338] : memref<64x1024x768xf32, #tpu.memory_space<hbm>> -> memref<1x16x768xf32, #tpu.memory_space<hbm>>
      %dma_wait3A_340 = tpu.memref_squeeze %dma_wait3A_339 : memref<1x16x768xf32, #tpu.memory_space<hbm>> -> memref<16x768xf32, #tpu.memory_space<hbm>>
      %dma_wait3A_341 = arith.constant 0 : i32
      %dma_wait3A_342 = arith.constant 0 : i32
      %dma_wait3A_343 = tpu.memref_slice %arg4[%dma_wait3A_336, %dma_wait3A_341, %dma_wait3A_342] : memref<64x1024x768xf32, #tpu.memory_space<hbm>> -> memref<1x16x768xf32, #tpu.memory_space<hbm>>
      %dma_wait3A_344 = tpu.memref_squeeze %dma_wait3A_343 : memref<1x16x768xf32, #tpu.memory_space<hbm>> -> memref<16x768xf32, #tpu.memory_space<hbm>>
      tpu.wait_dma2 semaphore(%arg18 : memref<!tpu.dma_semaphore, #tpu.memory_space<semaphore_mem>>) src(%arg6 : memref<16x768xf32, #tpu.memory_space<vmem>>) dst(%dma_wait3A_344 : memref<16x768xf32, #tpu.memory_space<hbm>>)
      %dma_wait3A_345 = arith.constant 0 : i32
      %dma_wait3A_346 = arith.constant 0 : i32
      %dma_wait3A_347 = arith.constant 0 : i32
      %dma_wait3A_348 = tpu.memref_slice %arg4[%dma_wait3A_345, %dma_wait3A_346, %dma_wait3A_347] : memref<64x1024x768xf32, #tpu.memory_space<hbm>> -> memref<1x16x768xf32, #tpu.memory_space<hbm>>
      %dma_wait3A_349 = tpu.memref_squeeze %dma_wait3A_348 : memref<1x16x768xf32, #tpu.memory_space<hbm>> -> memref<16x768xf32, #tpu.memory_space<hbm>>
      %dma_wait3A_350 = arith.constant 0 : i32
      %dma_wait3A_351 = arith.constant 0 : i32
      %dma_wait3A_352 = tpu.memref_slice %arg4[%dma_wait3A_345, %dma_wait3A_350, %dma_wait3A_351] : memref<64x1024x768xf32, #tpu.memory_space<hbm>> -> memref<1x16x768xf32, #tpu.memory_space<hbm>>
      %dma_wait3A_353 = tpu.memref_squeeze %dma_wait3A_352 : memref<1x16x768xf32, #tpu.memory_space<hbm>> -> memref<16x768xf32, #tpu.memory_space<hbm>>
      tpu.wait_dma2 semaphore(%arg19 : memref<!tpu.dma_semaphore, #tpu.memory_space<semaphore_mem>>) src(%arg7 : memref<16x768xf32, #tpu.memory_space<vmem>>) dst(%dma_wait3A_353 : memref<16x768xf32, #tpu.memory_space<hbm>>)
      %add3A_354 = arith.constant 2 : i32
      %add3A_355 = arith.addi %add3A_253, %add3A_354 : i32
      %lt3A_356 = arith.constant 64 : i32
      %lt3A_357 = arith.cmpi slt, %add3A_355, %lt3A_356 : i32
      %convert_element_type3A_358 = arith.extui %lt3A_357 : i1 to i32
      %cond3A_359 = arith.constant 0 : i32
      %cond3A_360 = arith.cmpi ne, %convert_element_type3A_358, %cond3A_359 : i32
      scf.if %cond3A_360 {
        %add3A_473 = arith.constant 2 : i32
        %add3A_474 = arith.addi %add3A_253, %add3A_473 : i32
        %jit3A_475 = arith.constant 2 : i32
        %eq3A_476 = arith.constant 0 : i32
        %eq3A_477 = arith.cmpi eq, %jit3A_475, %eq3A_476 : i32
        %jit3A_478 = arith.constant 1 : i32
        %select_n3A_479 = arith.select %eq3A_477, %jit3A_478, %jit3A_475 : i32
        %rem3A_480 = arith.remsi %add3A_474, %select_n3A_479 : i32
        %ne3A_481 = arith.constant 0 : i32
        %ne3A_482 = arith.cmpi ne, %rem3A_480, %ne3A_481 : i32
        %lt3A_483 = arith.constant 0 : i32
        %lt3A_484 = arith.cmpi slt, %rem3A_480, %lt3A_483 : i32
        %lt3A_485 = arith.constant 0 : i32
        %lt3A_486 = arith.cmpi slt, %select_n3A_479, %lt3A_485 : i32
        %ne3A_487 = arith.xori %lt3A_484, %lt3A_486 : i1
        %and3A_488 = arith.andi %ne3A_487, %ne3A_482 : i1
        %add3A_489 = arith.addi %rem3A_480, %select_n3A_479 : i32
        %select_n3A_490 = arith.select %and3A_488, %add3A_489, %rem3A_480 : i32
        %jit3A_491 = arith.constant 2 : i32
        %div3A_492 = arith.divsi %add3A_474, %jit3A_491 : i32
        %sign3A_493 = arith.constant 0 : i32
        %sign3A_494 = arith.cmpi sgt, %add3A_474, %sign3A_493 : i32
        %sign3A_495 = arith.extui %sign3A_494 : i1 to i32
        %sign3A_496 = arith.constant 0 : i32
        %sign3A_497 = arith.cmpi slt, %add3A_474, %sign3A_496 : i32
        %sign3A_498 = arith.extui %sign3A_497 : i1 to i32
        %sign3A_499 = arith.subi %sign3A_495, %sign3A_498 : i32
        %sign3A_500 = arith.constant 0 : i32
        %sign3A_501 = arith.cmpi sgt, %jit3A_491, %sign3A_500 : i32
        %sign3A_502 = arith.extui %sign3A_501 : i1 to i32
        %sign3A_503 = arith.constant 0 : i32
        %sign3A_504 = arith.cmpi slt, %jit3A_491, %sign3A_503 : i32
        %sign3A_505 = arith.extui %sign3A_504 : i1 to i32
        %sign3A_506 = arith.subi %sign3A_502, %sign3A_505 : i32
        %ne3A_507 = arith.cmpi ne, %sign3A_499, %sign3A_506 : i32
        %rem3A_508 = arith.remsi %add3A_474, %jit3A_491 : i32
        %ne3A_509 = arith.constant 0 : i32
        %ne3A_510 = arith.cmpi ne, %rem3A_508, %ne3A_509 : i32
        %and3A_511 = arith.andi %ne3A_507, %ne3A_510 : i1
        %sub3A_512 = arith.constant 1 : i32
        %sub3A_513 = arith.subi %div3A_492, %sub3A_512 : i32
        %select_n3A_514 = arith.select %and3A_511, %sub3A_513, %div3A_492 : i32
        %mul3A_515 = arith.constant 2 : i32
        %mul3A_516 = arith.muli %select_n3A_514, %mul3A_515 : i32
        %mul3A_517 = arith.constant 16 : i32
        %mul3A_518 = arith.muli %select_n3A_490, %mul3A_517 : i32
        %add3A_519 = arith.addi %mul3A_2, %mul3A_518 : i32
        %add3A_520 = arith.constant 0 : i32
        %add3A_521 = arith.addi %mul3A_516, %add3A_520 : i32
        %dma_start3A_522 = arith.constant 0 : i32
        %dma_start3A_523 = tpu.memref_slice %arg2[%add3A_521, %add3A_519, %dma_start3A_522] : memref<64x1024x768xf32, #tpu.memory_space<hbm>> -> memref<1x16x768xf32, #tpu.memory_space<hbm>>
        %dma_start3A_524 = tpu.memref_squeeze %dma_start3A_523 : memref<1x16x768xf32, #tpu.memory_space<hbm>> -> memref<16x768xf32, #tpu.memory_space<hbm>>
        %dma_start3A_525 = arith.constant 0 : i32
        %dma_start3A_526 = tpu.memref_slice %arg2[%add3A_521, %add3A_519, %dma_start3A_525] : memref<64x1024x768xf32, #tpu.memory_space<hbm>> -> memref<1x16x768xf32, #tpu.memory_space<hbm>>
        %dma_start3A_527 = tpu.memref_squeeze %dma_start3A_526 : memref<1x16x768xf32, #tpu.memory_space<hbm>> -> memref<16x768xf32, #tpu.memory_space<hbm>>
        tpu.enqueue_dma source(%dma_start3A_527 : memref<16x768xf32, #tpu.memory_space<hbm>>) target(%arg6 : memref<16x768xf32, #tpu.memory_space<vmem>>) target_semaphore(%arg12 : memref<!tpu.dma_semaphore, #tpu.memory_space<semaphore_mem>>)
        %add3A_528 = arith.constant 1 : i32
        %add3A_529 = arith.addi %mul3A_516, %add3A_528 : i32
        %dma_start3A_530 = arith.constant 0 : i32
        %dma_start3A_531 = tpu.memref_slice %arg2[%add3A_529, %add3A_519, %dma_start3A_530] : memref<64x1024x768xf32, #tpu.memory_space<hbm>> -> memref<1x16x768xf32, #tpu.memory_space<hbm>>
        %dma_start3A_532 = tpu.memref_squeeze %dma_start3A_531 : memref<1x16x768xf32, #tpu.memory_space<hbm>> -> memref<16x768xf32, #tpu.memory_space<hbm>>
        %dma_start3A_533 = arith.constant 0 : i32
        %dma_start3A_534 = tpu.memref_slice %arg2[%add3A_529, %add3A_519, %dma_start3A_533] : memref<64x1024x768xf32, #tpu.memory_space<hbm>> -> memref<1x16x768xf32, #tpu.memory_space<hbm>>
        %dma_start3A_535 = tpu.memref_squeeze %dma_start3A_534 : memref<1x16x768xf32, #tpu.memory_space<hbm>> -> memref<16x768xf32, #tpu.memory_space<hbm>>
        tpu.enqueue_dma source(%dma_start3A_535 : memref<16x768xf32, #tpu.memory_space<hbm>>) target(%arg7 : memref<16x768xf32, #tpu.memory_space<vmem>>) target_semaphore(%arg13 : memref<!tpu.dma_semaphore, #tpu.memory_space<semaphore_mem>>)
      } else {
      }
      %mul3A_361 = arith.constant 3 : i32
      %mul3A_362 = arith.muli %mul3A_361, %scan3A_107 : i32
      %add3A_363 = arith.constant 2 : i32
      %add3A_364 = arith.addi %mul3A_362, %add3A_363 : i32
      %jit3A_365 = arith.constant 2 : i32
      %eq3A_366 = arith.constant 0 : i32
      %eq3A_367 = arith.cmpi eq, %jit3A_365, %eq3A_366 : i32
      %jit3A_368 = arith.constant 1 : i32
      %select_n3A_369 = arith.select %eq3A_367, %jit3A_368, %jit3A_365 : i32
      %rem3A_370 = arith.remsi %add3A_364, %select_n3A_369 : i32
      %ne3A_371 = arith.constant 0 : i32
      %ne3A_372 = arith.cmpi ne, %rem3A_370, %ne3A_371 : i32
      %lt3A_373 = arith.constant 0 : i32
      %lt3A_374 = arith.cmpi slt, %rem3A_370, %lt3A_373 : i32
      %lt3A_375 = arith.constant 0 : i32
      %lt3A_376 = arith.cmpi slt, %select_n3A_369, %lt3A_375 : i32
      %ne3A_377 = arith.xori %lt3A_374, %lt3A_376 : i1
      %and3A_378 = arith.andi %ne3A_377, %ne3A_372 : i1
      %add3A_379 = arith.addi %rem3A_370, %select_n3A_369 : i32
      %select_n3A_380 = arith.select %and3A_378, %add3A_379, %rem3A_370 : i32
      %jit3A_381 = arith.constant 2 : i32
      %div3A_382 = arith.divsi %add3A_364, %jit3A_381 : i32
      %sign3A_383 = arith.constant 0 : i32
      %sign3A_384 = arith.cmpi sgt, %add3A_364, %sign3A_383 : i32
      %sign3A_385 = arith.extui %sign3A_384 : i1 to i32
      %sign3A_386 = arith.constant 0 : i32
      %sign3A_387 = arith.cmpi slt, %add3A_364, %sign3A_386 : i32
      %sign3A_388 = arith.extui %sign3A_387 : i1 to i32
      %sign3A_389 = arith.subi %sign3A_385, %sign3A_388 : i32
      %sign3A_390 = arith.constant 0 : i32
      %sign3A_391 = arith.cmpi sgt, %jit3A_381, %sign3A_390 : i32
      %sign3A_392 = arith.extui %sign3A_391 : i1 to i32
      %sign3A_393 = arith.constant 0 : i32
      %sign3A_394 = arith.cmpi slt, %jit3A_381, %sign3A_393 : i32
      %sign3A_395 = arith.extui %sign3A_394 : i1 to i32
      %sign3A_396 = arith.subi %sign3A_392, %sign3A_395 : i32
      %ne3A_397 = arith.cmpi ne, %sign3A_389, %sign3A_396 : i32
      %rem3A_398 = arith.remsi %add3A_364, %jit3A_381 : i32
      %ne3A_399 = arith.constant 0 : i32
      %ne3A_400 = arith.cmpi ne, %rem3A_398, %ne3A_399 : i32
      %and3A_401 = arith.andi %ne3A_397, %ne3A_400 : i1
      %sub3A_402 = arith.constant 1 : i32
      %sub3A_403 = arith.subi %div3A_382, %sub3A_402 : i32
      %select_n3A_404 = arith.select %and3A_401, %sub3A_403, %div3A_382 : i32
      %mul3A_405 = arith.constant 2 : i32
      %mul3A_406 = arith.muli %select_n3A_404, %mul3A_405 : i32
      %mul3A_407 = arith.constant 16 : i32
      %mul3A_408 = arith.muli %select_n3A_380, %mul3A_407 : i32
      %add3A_409 = arith.addi %mul3A_2, %mul3A_408 : i32
      %add3A_410 = arith.constant 0 : i32
      %add3A_411 = arith.addi %mul3A_406, %add3A_410 : i32
      %dma_wait3A_412 = arith.constant 0 : i32
      %dma_wait3A_413 = tpu.memref_slice %arg2[%add3A_411, %add3A_409, %dma_wait3A_412] : memref<64x1024x768xf32, #tpu.memory_space<hbm>> -> memref<1x16x768xf32, #tpu.memory_space<hbm>>
      %dma_wait3A_414 = tpu.memref_squeeze %dma_wait3A_413 : memref<1x16x768xf32, #tpu.memory_space<hbm>> -> memref<16x768xf32, #tpu.memory_space<hbm>>
      %dma_wait3A_415 = arith.constant 0 : i32
      %dma_wait3A_416 = tpu.memref_slice %arg2[%add3A_411, %add3A_409, %dma_wait3A_415] : memref<64x1024x768xf32, #tpu.memory_space<hbm>> -> memref<1x16x768xf32, #tpu.memory_space<hbm>>
      %dma_wait3A_417 = tpu.memref_squeeze %dma_wait3A_416 : memref<1x16x768xf32, #tpu.memory_space<hbm>> -> memref<16x768xf32, #tpu.memory_space<hbm>>
      tpu.wait_dma2 semaphore(%arg16 : memref<!tpu.dma_semaphore, #tpu.memory_space<semaphore_mem>>) src(%dma_wait3A_417 : memref<16x768xf32, #tpu.memory_space<hbm>>) dst(%arg10 : memref<16x768xf32, #tpu.memory_space<vmem>>)
      %add3A_418 = arith.constant 1 : i32
      %add3A_419 = arith.addi %mul3A_406, %add3A_418 : i32
      %dma_wait3A_420 = arith.constant 0 : i32
      %dma_wait3A_421 = tpu.memref_slice %arg2[%add3A_419, %add3A_409, %dma_wait3A_420] : memref<64x1024x768xf32, #tpu.memory_space<hbm>> -> memref<1x16x768xf32, #tpu.memory_space<hbm>>
      %dma_wait3A_422 = tpu.memref_squeeze %dma_wait3A_421 : memref<1x16x768xf32, #tpu.memory_space<hbm>> -> memref<16x768xf32, #tpu.memory_space<hbm>>
      %dma_wait3A_423 = arith.constant 0 : i32
      %dma_wait3A_424 = tpu.memref_slice %arg2[%add3A_419, %add3A_409, %dma_wait3A_423] : memref<64x1024x768xf32, #tpu.memory_space<hbm>> -> memref<1x16x768xf32, #tpu.memory_space<hbm>>
      %dma_wait3A_425 = tpu.memref_squeeze %dma_wait3A_424 : memref<1x16x768xf32, #tpu.memory_space<hbm>> -> memref<16x768xf32, #tpu.memory_space<hbm>>
      tpu.wait_dma2 semaphore(%arg17 : memref<!tpu.dma_semaphore, #tpu.memory_space<semaphore_mem>>) src(%dma_wait3A_425 : memref<16x768xf32, #tpu.memory_space<hbm>>) dst(%arg11 : memref<16x768xf32, #tpu.memory_space<vmem>>)
      %mul3A_426 = arith.constant 16 : i32
      %mul3A_427 = arith.muli %select_n3A_380, %mul3A_426 : i32
      %parallel_loop3A_428 = arith.constant 0 : i32
      %parallel_loop3A_429 = arith.constant 16 : i32
      %parallel_loop3A_430 = arith.constant 1 : i32
      scf.for %parallel_loop3A_473 = %parallel_loop3A_428 to %parallel_loop3A_429 step %parallel_loop3A_430  : i32 {
        %parallel_loop3A_474 = arith.addi %mul3A_427, %parallel_loop3A_473 : i32
        %parallel_loop3A_475 = arith.constant 0 : i32
        %parallel_loop3A_476 = arith.constant 48 : i32
        %parallel_loop3A_477 = arith.constant 1 : i32
        scf.for %parallel_loop3A_478 = %parallel_loop3A_475 to %parallel_loop3A_476 step %parallel_loop3A_477  : i32 {
          %parallel_loop3A_479 = arith.constant 16 : i32
          %parallel_loop3A_480 = arith.muli %parallel_loop3A_478, %parallel_loop3A_479 : i32
          %parallel_loop3A_481 = arith.index_cast %parallel_loop3A_474 : i32 to index
          %parallel_loop3A_482 = arith.index_cast %parallel_loop3A_480 : i32 to index
          %parallel_loop3A_483 = tpu.vector_load %arg5[%parallel_loop3A_481, %parallel_loop3A_482] {strides = array<i32>} : memref<32x768xf32, #tpu.memory_space<vmem>>, vector<1x16xf32>,
          %parallel_loop3A_484 = vector.shape_cast %parallel_loop3A_483 : vector<1x16xf32> to vector<16xf32>
          %parallel_loop3A_485 = arith.index_cast %parallel_loop3A_473 : i32 to index
          %parallel_loop3A_486 = arith.index_cast %parallel_loop3A_480 : i32 to index
          %parallel_loop3A_487 = tpu.vector_load %arg10[%parallel_loop3A_485, %parallel_loop3A_486] {strides = array<i32>} : memref<16x768xf32, #tpu.memory_space<vmem>>, vector<1x16xf32>,
          %parallel_loop3A_488 = vector.shape_cast %parallel_loop3A_487 : vector<1x16xf32> to vector<16xf32>
          %parallel_loop3A_489 = arith.addf %parallel_loop3A_488, %parallel_loop3A_484 : vector<16xf32>
          %parallel_loop3A_490 = arith.index_cast %parallel_loop3A_473 : i32 to index
          %parallel_loop3A_491 = arith.index_cast %parallel_loop3A_480 : i32 to index
          %parallel_loop3A_492 = tpu.vector_load %arg10[%parallel_loop3A_490, %parallel_loop3A_491] {strides = array<i32>} : memref<16x768xf32, #tpu.memory_space<vmem>>, vector<1x16xf32>,
          %parallel_loop3A_493 = vector.shape_cast %parallel_loop3A_492 : vector<1x16xf32> to vector<16xf32>
          %parallel_loop3A_494 = vector.shape_cast %parallel_loop3A_489 : vector<16xf32> to vector<1x16xf32>
          tpu.vector_store %arg10[%parallel_loop3A_490, %parallel_loop3A_491], %parallel_loop3A_494 {strides = array<i32>} : memref<16x768xf32, #tpu.memory_space<vmem>>, vector<1x16xf32>,
          %parallel_loop3A_495 = arith.index_cast %parallel_loop3A_473 : i32 to index
          %parallel_loop3A_496 = arith.index_cast %parallel_loop3A_480 : i32 to index
          %parallel_loop3A_497 = tpu.vector_load %arg11[%parallel_loop3A_495, %parallel_loop3A_496] {strides = array<i32>} : memref<16x768xf32, #tpu.memory_space<vmem>>, vector<1x16xf32>,
          %parallel_loop3A_498 = vector.shape_cast %parallel_loop3A_497 : vector<1x16xf32> to vector<16xf32>
          %parallel_loop3A_499 = arith.addf %parallel_loop3A_498, %parallel_loop3A_484 : vector<16xf32>
          %parallel_loop3A_500 = arith.index_cast %parallel_loop3A_473 : i32 to index
          %parallel_loop3A_501 = arith.index_cast %parallel_loop3A_480 : i32 to index
          %parallel_loop3A_502 = tpu.vector_load %arg11[%parallel_loop3A_500, %parallel_loop3A_501] {strides = array<i32>} : memref<16x768xf32, #tpu.memory_space<vmem>>, vector<1x16xf32>,
          %parallel_loop3A_503 = vector.shape_cast %parallel_loop3A_502 : vector<1x16xf32> to vector<16xf32>
          %parallel_loop3A_504 = vector.shape_cast %parallel_loop3A_499 : vector<16xf32> to vector<1x16xf32>
          tpu.vector_store %arg11[%parallel_loop3A_500, %parallel_loop3A_501], %parallel_loop3A_504 {strides = array<i32>} : memref<16x768xf32, #tpu.memory_space<vmem>>, vector<1x16xf32>,
        } {sc.loop_unroll_factor = 4 : i64, sc.parallel_access}
      } {sc.loop_unroll_factor = 1 : i64, sc.parallel_access}
      %add3A_431 = arith.constant 0 : i32
      %add3A_432 = arith.addi %mul3A_406, %add3A_431 : i32
      %dma_start3A_433 = arith.constant 0 : i32
      %dma_start3A_434 = tpu.memref_slice %arg4[%add3A_432, %add3A_409, %dma_start3A_433] : memref<64x1024x768xf32, #tpu.memory_space<hbm>> -> memref<1x16x768xf32, #tpu.memory_space<hbm>>
      %dma_start3A_435 = tpu.memref_squeeze %dma_start3A_434 : memref<1x16x768xf32, #tpu.memory_space<hbm>> -> memref<16x768xf32, #tpu.memory_space<hbm>>
      %dma_start3A_436 = arith.constant 0 : i32
      %dma_start3A_437 = tpu.memref_slice %arg4[%add3A_432, %add3A_409, %dma_start3A_436] : memref<64x1024x768xf32, #tpu.memory_space<hbm>> -> memref<1x16x768xf32, #tpu.memory_space<hbm>>
      %dma_start3A_438 = tpu.memref_squeeze %dma_start3A_437 : memref<1x16x768xf32, #tpu.memory_space<hbm>> -> memref<16x768xf32, #tpu.memory_space<hbm>>
      tpu.enqueue_dma source(%arg10 : memref<16x768xf32, #tpu.memory_space<vmem>>) target(%dma_start3A_438 : memref<16x768xf32, #tpu.memory_space<hbm>>) target_semaphore(%arg22 : memref<!tpu.dma_semaphore, #tpu.memory_space<semaphore_mem>>)
      %add3A_439 = arith.constant 1 : i32
      %add3A_440 = arith.addi %mul3A_406, %add3A_439 : i32
      %dma_start3A_441 = arith.constant 0 : i32
      %dma_start3A_442 = tpu.memref_slice %arg4[%add3A_440, %add3A_409, %dma_start3A_441] : memref<64x1024x768xf32, #tpu.memory_space<hbm>> -> memref<1x16x768xf32, #tpu.memory_space<hbm>>
      %dma_start3A_443 = tpu.memref_squeeze %dma_start3A_442 : memref<1x16x768xf32, #tpu.memory_space<hbm>> -> memref<16x768xf32, #tpu.memory_space<hbm>>
      %dma_start3A_444 = arith.constant 0 : i32
      %dma_start3A_445 = tpu.memref_slice %arg4[%add3A_440, %add3A_409, %dma_start3A_444] : memref<64x1024x768xf32, #tpu.memory_space<hbm>> -> memref<1x16x768xf32, #tpu.memory_space<hbm>>
      %dma_start3A_446 = tpu.memref_squeeze %dma_start3A_445 : memref<1x16x768xf32, #tpu.memory_space<hbm>> -> memref<16x768xf32, #tpu.memory_space<hbm>>
      tpu.enqueue_dma source(%arg11 : memref<16x768xf32, #tpu.memory_space<vmem>>) target(%dma_start3A_446 : memref<16x768xf32, #tpu.memory_space<hbm>>) target_semaphore(%arg23 : memref<!tpu.dma_semaphore, #tpu.memory_space<semaphore_mem>>)
      %dma_wait3A_447 = arith.constant 0 : i32
      %dma_wait3A_448 = arith.constant 0 : i32
      %dma_wait3A_449 = arith.constant 0 : i32
      %dma_wait3A_450 = tpu.memref_slice %arg4[%dma_wait3A_447, %dma_wait3A_448, %dma_wait3A_449] : memref<64x1024x768xf32, #tpu.memory_space<hbm>> -> memref<1x16x768xf32, #tpu.memory_space<hbm>>
      %dma_wait3A_451 = tpu.memref_squeeze %dma_wait3A_450 : memref<1x16x768xf32, #tpu.memory_space<hbm>> -> memref<16x768xf32, #tpu.memory_space<hbm>>
      %dma_wait3A_452 = arith.constant 0 : i32
      %dma_wait3A_453 = arith.constant 0 : i32
      %dma_wait3A_454 = tpu.memref_slice %arg4[%dma_wait3A_447, %dma_wait3A_452, %dma_wait3A_453] : memref<64x1024x768xf32, #tpu.memory_space<hbm>> -> memref<1x16x768xf32, #tpu.memory_space<hbm>>
      %dma_wait3A_455 = tpu.memref_squeeze %dma_wait3A_454 : memref<1x16x768xf32, #tpu.memory_space<hbm>> -> memref<16x768xf32, #tpu.memory_space<hbm>>
      tpu.wait_dma2 semaphore(%arg20 : memref<!tpu.dma_semaphore, #tpu.memory_space<semaphore_mem>>) src(%arg8 : memref<16x768xf32, #tpu.memory_space<vmem>>) dst(%dma_wait3A_455 : memref<16x768xf32, #tpu.memory_space<hbm>>)
      %dma_wait3A_456 = arith.constant 0 : i32
      %dma_wait3A_457 = arith.constant 0 : i32
      %dma_wait3A_458 = arith.constant 0 : i32
      %dma_wait3A_459 = tpu.memref_slice %arg4[%dma_wait3A_456, %dma_wait3A_457, %dma_wait3A_458] : memref<64x1024x768xf32, #tpu.memory_space<hbm>> -> memref<1x16x768xf32, #tpu.memory_space<hbm>>
      %dma_wait3A_460 = tpu.memref_squeeze %dma_wait3A_459 : memref<1x16x768xf32, #tpu.memory_space<hbm>> -> memref<16x768xf32, #tpu.memory_space<hbm>>
      %dma_wait3A_461 = arith.constant 0 : i32
      %dma_wait3A_462 = arith.constant 0 : i32
      %dma_wait3A_463 = tpu.memref_slice %arg4[%dma_wait3A_456, %dma_wait3A_461, %dma_wait3A_462] : memref<64x1024x768xf32, #tpu.memory_space<hbm>> -> memref<1x16x768xf32, #tpu.memory_space<hbm>>
      %dma_wait3A_464 = tpu.memref_squeeze %dma_wait3A_463 : memref<1x16x768xf32, #tpu.memory_space<hbm>> -> memref<16x768xf32, #tpu.memory_space<hbm>>
      tpu.wait_dma2 semaphore(%arg21 : memref<!tpu.dma_semaphore, #tpu.memory_space<semaphore_mem>>) src(%arg9 : memref<16x768xf32, #tpu.memory_space<vmem>>) dst(%dma_wait3A_464 : memref<16x768xf32, #tpu.memory_space<hbm>>)
      %add3A_465 = arith.constant 2 : i32
      %add3A_466 = arith.addi %add3A_364, %add3A_465 : i32
      %lt3A_467 = arith.constant 64 : i32
      %lt3A_468 = arith.cmpi slt, %add3A_466, %lt3A_467 : i32
      %convert_element_type3A_469 = arith.extui %lt3A_468 : i1 to i32
      %cond3A_470 = arith.constant 0 : i32
      %cond3A_471 = arith.cmpi ne, %convert_element_type3A_469, %cond3A_470 : i32
      scf.if %cond3A_471 {
        %add3A_473 = arith.constant 2 : i32
        %add3A_474 = arith.addi %add3A_364, %add3A_473 : i32
        %jit3A_475 = arith.constant 2 : i32
        %eq3A_476 = arith.constant 0 : i32
        %eq3A_477 = arith.cmpi eq, %jit3A_475, %eq3A_476 : i32
        %jit3A_478 = arith.constant 1 : i32
        %select_n3A_479 = arith.select %eq3A_477, %jit3A_478, %jit3A_475 : i32
        %rem3A_480 = arith.remsi %add3A_474, %select_n3A_479 : i32
        %ne3A_481 = arith.constant 0 : i32
        %ne3A_482 = arith.cmpi ne, %rem3A_480, %ne3A_481 : i32
        %lt3A_483 = arith.constant 0 : i32
        %lt3A_484 = arith.cmpi slt, %rem3A_480, %lt3A_483 : i32
        %lt3A_485 = arith.constant 0 : i32
        %lt3A_486 = arith.cmpi slt, %select_n3A_479, %lt3A_485 : i32
        %ne3A_487 = arith.xori %lt3A_484, %lt3A_486 : i1
        %and3A_488 = arith.andi %ne3A_487, %ne3A_482 : i1
        %add3A_489 = arith.addi %rem3A_480, %select_n3A_479 : i32
        %select_n3A_490 = arith.select %and3A_488, %add3A_489, %rem3A_480 : i32
        %jit3A_491 = arith.constant 2 : i32
        %div3A_492 = arith.divsi %add3A_474, %jit3A_491 : i32
        %sign3A_493 = arith.constant 0 : i32
        %sign3A_494 = arith.cmpi sgt, %add3A_474, %sign3A_493 : i32
        %sign3A_495 = arith.extui %sign3A_494 : i1 to i32
        %sign3A_496 = arith.constant 0 : i32
        %sign3A_497 = arith.cmpi slt, %add3A_474, %sign3A_496 : i32
        %sign3A_498 = arith.extui %sign3A_497 : i1 to i32
        %sign3A_499 = arith.subi %sign3A_495, %sign3A_498 : i32
        %sign3A_500 = arith.constant 0 : i32
        %sign3A_501 = arith.cmpi sgt, %jit3A_491, %sign3A_500 : i32
        %sign3A_502 = arith.extui %sign3A_501 : i1 to i32
        %sign3A_503 = arith.constant 0 : i32
        %sign3A_504 = arith.cmpi slt, %jit3A_491, %sign3A_503 : i32
        %sign3A_505 = arith.extui %sign3A_504 : i1 to i32
        %sign3A_506 = arith.subi %sign3A_502, %sign3A_505 : i32
        %ne3A_507 = arith.cmpi ne, %sign3A_499, %sign3A_506 : i32
        %rem3A_508 = arith.remsi %add3A_474, %jit3A_491 : i32
        %ne3A_509 = arith.constant 0 : i32
        %ne3A_510 = arith.cmpi ne, %rem3A_508, %ne3A_509 : i32
        %and3A_511 = arith.andi %ne3A_507, %ne3A_510 : i1
        %sub3A_512 = arith.constant 1 : i32
        %sub3A_513 = arith.subi %div3A_492, %sub3A_512 : i32
        %select_n3A_514 = arith.select %and3A_511, %sub3A_513, %div3A_492 : i32
        %mul3A_515 = arith.constant 2 : i32
        %mul3A_516 = arith.muli %select_n3A_514, %mul3A_515 : i32
        %mul3A_517 = arith.constant 16 : i32
        %mul3A_518 = arith.muli %select_n3A_490, %mul3A_517 : i32
        %add3A_519 = arith.addi %mul3A_2, %mul3A_518 : i32
        %add3A_520 = arith.constant 0 : i32
        %add3A_521 = arith.addi %mul3A_516, %add3A_520 : i32
        %dma_start3A_522 = arith.constant 0 : i32
        %dma_start3A_523 = tpu.memref_slice %arg2[%add3A_521, %add3A_519, %dma_start3A_522] : memref<64x1024x768xf32, #tpu.memory_space<hbm>> -> memref<1x16x768xf32, #tpu.memory_space<hbm>>
        %dma_start3A_524 = tpu.memref_squeeze %dma_start3A_523 : memref<1x16x768xf32, #tpu.memory_space<hbm>> -> memref<16x768xf32, #tpu.memory_space<hbm>>
        %dma_start3A_525 = arith.constant 0 : i32
        %dma_start3A_526 = tpu.memref_slice %arg2[%add3A_521, %add3A_519, %dma_start3A_525] : memref<64x1024x768xf32, #tpu.memory_space<hbm>> -> memref<1x16x768xf32, #tpu.memory_space<hbm>>
        %dma_start3A_527 = tpu.memref_squeeze %dma_start3A_526 : memref<1x16x768xf32, #tpu.memory_space<hbm>> -> memref<16x768xf32, #tpu.memory_space<hbm>>
        tpu.enqueue_dma source(%dma_start3A_527 : memref<16x768xf32, #tpu.memory_space<hbm>>) target(%arg8 : memref<16x768xf32, #tpu.memory_space<vmem>>) target_semaphore(%arg14 : memref<!tpu.dma_semaphore, #tpu.memory_space<semaphore_mem>>)
        %add3A_528 = arith.constant 1 : i32
        %add3A_529 = arith.addi %mul3A_516, %add3A_528 : i32
        %dma_start3A_530 = arith.constant 0 : i32
        %dma_start3A_531 = tpu.memref_slice %arg2[%add3A_529, %add3A_519, %dma_start3A_530] : memref<64x1024x768xf32, #tpu.memory_space<hbm>> -> memref<1x16x768xf32, #tpu.memory_space<hbm>>
        %dma_start3A_532 = tpu.memref_squeeze %dma_start3A_531 : memref<1x16x768xf32, #tpu.memory_space<hbm>> -> memref<16x768xf32, #tpu.memory_space<hbm>>
        %dma_start3A_533 = arith.constant 0 : i32
        %dma_start3A_534 = tpu.memref_slice %arg2[%add3A_529, %add3A_519, %dma_start3A_533] : memref<64x1024x768xf32, #tpu.memory_space<hbm>> -> memref<1x16x768xf32, #tpu.memory_space<hbm>>
        %dma_start3A_535 = tpu.memref_squeeze %dma_start3A_534 : memref<1x16x768xf32, #tpu.memory_space<hbm>> -> memref<16x768xf32, #tpu.memory_space<hbm>>
        tpu.enqueue_dma source(%dma_start3A_535 : memref<16x768xf32, #tpu.memory_space<hbm>>) target(%arg9 : memref<16x768xf32, #tpu.memory_space<vmem>>) target_semaphore(%arg15 : memref<!tpu.dma_semaphore, #tpu.memory_space<semaphore_mem>>)
      } else {
      }
      %scan3A_472 = arith.constant 0 : i32
      scf.yield %scan3A_472 : i32
    }
    %scan3A_39 = arith.constant 21 : i32
    %add3A_40 = arith.constant 16 : i32
    %add3A_41 = arith.addi %mul3A_2, %add3A_40 : i32
    %dma_wait3A = arith.constant 62 : i32
    %dma_wait3A_42 = arith.constant 0 : i32
    %dma_wait3A_43 = tpu.memref_slice %arg2[%dma_wait3A, %add3A_41, %dma_wait3A_42] : memref<64x1024x768xf32, #tpu.memory_space<hbm>> -> memref<1x16x768xf32, #tpu.memory_space<hbm>>
    %dma_wait3A_44 = tpu.memref_squeeze %dma_wait3A_43 : memref<1x16x768xf32, #tpu.memory_space<hbm>> -> memref<16x768xf32, #tpu.memory_space<hbm>>
    %dma_wait3A_45 = arith.constant 0 : i32
    %dma_wait3A_46 = tpu.memref_slice %arg2[%dma_wait3A, %add3A_41, %dma_wait3A_45] : memref<64x1024x768xf32, #tpu.memory_space<hbm>> -> memref<1x16x768xf32, #tpu.memory_space<hbm>>
    %dma_wait3A_47 = tpu.memref_squeeze %dma_wait3A_46 : memref<1x16x768xf32, #tpu.memory_space<hbm>> -> memref<16x768xf32, #tpu.memory_space<hbm>>
    tpu.wait_dma2 semaphore(%arg12 : memref<!tpu.dma_semaphore, #tpu.memory_space<semaphore_mem>>) src(%dma_wait3A_47 : memref<16x768xf32, #tpu.memory_space<hbm>>) dst(%arg6 : memref<16x768xf32, #tpu.memory_space<vmem>>)
    %dma_wait3A_48 = arith.constant 63 : i32
    %dma_wait3A_49 = arith.constant 0 : i32
    %dma_wait3A_50 = tpu.memref_slice %arg2[%dma_wait3A_48, %add3A_41, %dma_wait3A_49] : memref<64x1024x768xf32, #tpu.memory_space<hbm>> -> memref<1x16x768xf32, #tpu.memory_space<hbm>>
    %dma_wait3A_51 = tpu.memref_squeeze %dma_wait3A_50 : memref<1x16x768xf32, #tpu.memory_space<hbm>> -> memref<16x768xf32, #tpu.memory_space<hbm>>
    %dma_wait3A_52 = arith.constant 0 : i32
    %dma_wait3A_53 = tpu.memref_slice %arg2[%dma_wait3A_48, %add3A_41, %dma_wait3A_52] : memref<64x1024x768xf32, #tpu.memory_space<hbm>> -> memref<1x16x768xf32, #tpu.memory_space<hbm>>
    %dma_wait3A_54 = tpu.memref_squeeze %dma_wait3A_53 : memref<1x16x768xf32, #tpu.memory_space<hbm>> -> memref<16x768xf32, #tpu.memory_space<hbm>>
    tpu.wait_dma2 semaphore(%arg13 : memref<!tpu.dma_semaphore, #tpu.memory_space<semaphore_mem>>) src(%dma_wait3A_54 : memref<16x768xf32, #tpu.memory_space<hbm>>) dst(%arg7 : memref<16x768xf32, #tpu.memory_space<vmem>>)
    %parallel_loop3A = arith.constant 0 : i32
    %parallel_loop3A_55 = arith.constant 16 : i32
    %parallel_loop3A_56 = arith.constant 1 : i32
    scf.for %parallel_loop3A_107 = %parallel_loop3A to %parallel_loop3A_55 step %parallel_loop3A_56  : i32 {
      %parallel_loop3A_108 = arith.constant 16 : i32
      %parallel_loop3A_109 = arith.addi %parallel_loop3A_108, %parallel_loop3A_107 : i32
      %parallel_loop3A_110 = arith.constant 0 : i32
      %parallel_loop3A_111 = arith.constant 48 : i32
      %parallel_loop3A_112 = arith.constant 1 : i32
      scf.for %parallel_loop3A_113 = %parallel_loop3A_110 to %parallel_loop3A_111 step %parallel_loop3A_112  : i32 {
        %parallel_loop3A_114 = arith.constant 16 : i32
        %parallel_loop3A_115 = arith.muli %parallel_loop3A_113, %parallel_loop3A_114 : i32
        %parallel_loop3A_116 = arith.index_cast %parallel_loop3A_109 : i32 to index
        %parallel_loop3A_117 = arith.index_cast %parallel_loop3A_115 : i32 to index
        %parallel_loop3A_118 = tpu.vector_load %arg5[%parallel_loop3A_116, %parallel_loop3A_117] {strides = array<i32>} : memref<32x768xf32, #tpu.memory_space<vmem>>, vector<1x16xf32>,
        %parallel_loop3A_119 = vector.shape_cast %parallel_loop3A_118 : vector<1x16xf32> to vector<16xf32>
        %parallel_loop3A_120 = arith.index_cast %parallel_loop3A_107 : i32 to index
        %parallel_loop3A_121 = arith.index_cast %parallel_loop3A_115 : i32 to index
        %parallel_loop3A_122 = tpu.vector_load %arg6[%parallel_loop3A_120, %parallel_loop3A_121] {strides = array<i32>} : memref<16x768xf32, #tpu.memory_space<vmem>>, vector<1x16xf32>,
        %parallel_loop3A_123 = vector.shape_cast %parallel_loop3A_122 : vector<1x16xf32> to vector<16xf32>
        %parallel_loop3A_124 = arith.addf %parallel_loop3A_123, %parallel_loop3A_119 : vector<16xf32>
        %parallel_loop3A_125 = arith.index_cast %parallel_loop3A_107 : i32 to index
        %parallel_loop3A_126 = arith.index_cast %parallel_loop3A_115 : i32 to index
        %parallel_loop3A_127 = tpu.vector_load %arg6[%parallel_loop3A_125, %parallel_loop3A_126] {strides = array<i32>} : memref<16x768xf32, #tpu.memory_space<vmem>>, vector<1x16xf32>,
        %parallel_loop3A_128 = vector.shape_cast %parallel_loop3A_127 : vector<1x16xf32> to vector<16xf32>
        %parallel_loop3A_129 = vector.shape_cast %parallel_loop3A_124 : vector<16xf32> to vector<1x16xf32>
        tpu.vector_store %arg6[%parallel_loop3A_125, %parallel_loop3A_126], %parallel_loop3A_129 {strides = array<i32>} : memref<16x768xf32, #tpu.memory_space<vmem>>, vector<1x16xf32>,
        %parallel_loop3A_130 = arith.index_cast %parallel_loop3A_107 : i32 to index
        %parallel_loop3A_131 = arith.index_cast %parallel_loop3A_115 : i32 to index
        %parallel_loop3A_132 = tpu.vector_load %arg7[%parallel_loop3A_130, %parallel_loop3A_131] {strides = array<i32>} : memref<16x768xf32, #tpu.memory_space<vmem>>, vector<1x16xf32>,
        %parallel_loop3A_133 = vector.shape_cast %parallel_loop3A_132 : vector<1x16xf32> to vector<16xf32>
        %parallel_loop3A_134 = arith.addf %parallel_loop3A_133, %parallel_loop3A_119 : vector<16xf32>
        %parallel_loop3A_135 = arith.index_cast %parallel_loop3A_107 : i32 to index
        %parallel_loop3A_136 = arith.index_cast %parallel_loop3A_115 : i32 to index
        %parallel_loop3A_137 = tpu.vector_load %arg7[%parallel_loop3A_135, %parallel_loop3A_136] {strides = array<i32>} : memref<16x768xf32, #tpu.memory_space<vmem>>, vector<1x16xf32>,
        %parallel_loop3A_138 = vector.shape_cast %parallel_loop3A_137 : vector<1x16xf32> to vector<16xf32>
        %parallel_loop3A_139 = vector.shape_cast %parallel_loop3A_134 : vector<16xf32> to vector<1x16xf32>
        tpu.vector_store %arg7[%parallel_loop3A_135, %parallel_loop3A_136], %parallel_loop3A_139 {strides = array<i32>} : memref<16x768xf32, #tpu.memory_space<vmem>>, vector<1x16xf32>,
      } {sc.loop_unroll_factor = 4 : i64, sc.parallel_access}
    } {sc.loop_unroll_factor = 1 : i64, sc.parallel_access}
    %dma_start3A_57 = arith.constant 62 : i32
    %dma_start3A_58 = arith.constant 0 : i32
    %dma_start3A_59 = tpu.memref_slice %arg4[%dma_start3A_57, %add3A_41, %dma_start3A_58] : memref<64x1024x768xf32, #tpu.memory_space<hbm>> -> memref<1x16x768xf32, #tpu.memory_space<hbm>>
    %dma_start3A_60 = tpu.memref_squeeze %dma_start3A_59 : memref<1x16x768xf32, #tpu.memory_space<hbm>> -> memref<16x768xf32, #tpu.memory_space<hbm>>
    %dma_start3A_61 = arith.constant 0 : i32
    %dma_start3A_62 = tpu.memref_slice %arg4[%dma_start3A_57, %add3A_41, %dma_start3A_61] : memref<64x1024x768xf32, #tpu.memory_space<hbm>> -> memref<1x16x768xf32, #tpu.memory_space<hbm>>
    %dma_start3A_63 = tpu.memref_squeeze %dma_start3A_62 : memref<1x16x768xf32, #tpu.memory_space<hbm>> -> memref<16x768xf32, #tpu.memory_space<hbm>>
    tpu.enqueue_dma source(%arg6 : memref<16x768xf32, #tpu.memory_space<vmem>>) target(%dma_start3A_63 : memref<16x768xf32, #tpu.memory_space<hbm>>) target_semaphore(%arg18 : memref<!tpu.dma_semaphore, #tpu.memory_space<semaphore_mem>>)
    %dma_start3A_64 = arith.constant 63 : i32
    %dma_start3A_65 = arith.constant 0 : i32
    %dma_start3A_66 = tpu.memref_slice %arg4[%dma_start3A_64, %add3A_41, %dma_start3A_65] : memref<64x1024x768xf32, #tpu.memory_space<hbm>> -> memref<1x16x768xf32, #tpu.memory_space<hbm>>
    %dma_start3A_67 = tpu.memref_squeeze %dma_start3A_66 : memref<1x16x768xf32, #tpu.memory_space<hbm>> -> memref<16x768xf32, #tpu.memory_space<hbm>>
    %dma_start3A_68 = arith.constant 0 : i32
    %dma_start3A_69 = tpu.memref_slice %arg4[%dma_start3A_64, %add3A_41, %dma_start3A_68] : memref<64x1024x768xf32, #tpu.memory_space<hbm>> -> memref<1x16x768xf32, #tpu.memory_space<hbm>>
    %dma_start3A_70 = tpu.memref_squeeze %dma_start3A_69 : memref<1x16x768xf32, #tpu.memory_space<hbm>> -> memref<16x768xf32, #tpu.memory_space<hbm>>
    tpu.enqueue_dma source(%arg7 : memref<16x768xf32, #tpu.memory_space<vmem>>) target(%dma_start3A_70 : memref<16x768xf32, #tpu.memory_space<hbm>>) target_semaphore(%arg19 : memref<!tpu.dma_semaphore, #tpu.memory_space<semaphore_mem>>)
    %dma_wait3A_71 = arith.constant 0 : i32
    %dma_wait3A_72 = arith.constant 0 : i32
    %dma_wait3A_73 = arith.constant 0 : i32
    %dma_wait3A_74 = tpu.memref_slice %arg4[%dma_wait3A_71, %dma_wait3A_72, %dma_wait3A_73] : memref<64x1024x768xf32, #tpu.memory_space<hbm>> -> memref<1x16x768xf32, #tpu.memory_space<hbm>>
    %dma_wait3A_75 = tpu.memref_squeeze %dma_wait3A_74 : memref<1x16x768xf32, #tpu.memory_space<hbm>> -> memref<16x768xf32, #tpu.memory_space<hbm>>
    %dma_wait3A_76 = arith.constant 0 : i32
    %dma_wait3A_77 = arith.constant 0 : i32
    %dma_wait3A_78 = tpu.memref_slice %arg4[%dma_wait3A_71, %dma_wait3A_76, %dma_wait3A_77] : memref<64x1024x768xf32, #tpu.memory_space<hbm>> -> memref<1x16x768xf32, #tpu.memory_space<hbm>>
    %dma_wait3A_79 = tpu.memref_squeeze %dma_wait3A_78 : memref<1x16x768xf32, #tpu.memory_space<hbm>> -> memref<16x768xf32, #tpu.memory_space<hbm>>
    tpu.wait_dma2 semaphore(%arg22 : memref<!tpu.dma_semaphore, #tpu.memory_space<semaphore_mem>>) src(%arg10 : memref<16x768xf32, #tpu.memory_space<vmem>>) dst(%dma_wait3A_79 : memref<16x768xf32, #tpu.memory_space<hbm>>)
    %dma_wait3A_80 = arith.constant 0 : i32
    %dma_wait3A_81 = arith.constant 0 : i32
    %dma_wait3A_82 = arith.constant 0 : i32
    %dma_wait3A_83 = tpu.memref_slice %arg4[%dma_wait3A_80, %dma_wait3A_81, %dma_wait3A_82] : memref<64x1024x768xf32, #tpu.memory_space<hbm>> -> memref<1x16x768xf32, #tpu.memory_space<hbm>>
    %dma_wait3A_84 = tpu.memref_squeeze %dma_wait3A_83 : memref<1x16x768xf32, #tpu.memory_space<hbm>> -> memref<16x768xf32, #tpu.memory_space<hbm>>
    %dma_wait3A_85 = arith.constant 0 : i32
    %dma_wait3A_86 = arith.constant 0 : i32
    %dma_wait3A_87 = tpu.memref_slice %arg4[%dma_wait3A_80, %dma_wait3A_85, %dma_wait3A_86] : memref<64x1024x768xf32, #tpu.memory_space<hbm>> -> memref<1x16x768xf32, #tpu.memory_space<hbm>>
    %dma_wait3A_88 = tpu.memref_squeeze %dma_wait3A_87 : memref<1x16x768xf32, #tpu.memory_space<hbm>> -> memref<16x768xf32, #tpu.memory_space<hbm>>
    tpu.wait_dma2 semaphore(%arg23 : memref<!tpu.dma_semaphore, #tpu.memory_space<semaphore_mem>>) src(%arg11 : memref<16x768xf32, #tpu.memory_space<vmem>>) dst(%dma_wait3A_88 : memref<16x768xf32, #tpu.memory_space<hbm>>)
    %dma_wait3A_89 = arith.constant 0 : i32
    %dma_wait3A_90 = arith.constant 0 : i32
    %dma_wait3A_91 = arith.constant 0 : i32
    %dma_wait3A_92 = tpu.memref_slice %arg4[%dma_wait3A_89, %dma_wait3A_90, %dma_wait3A_91] : memref<64x1024x768xf32, #tpu.memory_space<hbm>> -> memref<1x16x768xf32, #tpu.memory_space<hbm>>
    %dma_wait3A_93 = tpu.memref_squeeze %dma_wait3A_92 : memref<1x16x768xf32, #tpu.memory_space<hbm>> -> memref<16x768xf32, #tpu.memory_space<hbm>>
    %dma_wait3A_94 = arith.constant 0 : i32
    %dma_wait3A_95 = arith.constant 0 : i32
    %dma_wait3A_96 = tpu.memref_slice %arg4[%dma_wait3A_89, %dma_wait3A_94, %dma_wait3A_95] : memref<64x1024x768xf32, #tpu.memory_space<hbm>> -> memref<1x16x768xf32, #tpu.memory_space<hbm>>
    %dma_wait3A_97 = tpu.memref_squeeze %dma_wait3A_96 : memref<1x16x768xf32, #tpu.memory_space<hbm>> -> memref<16x768xf32, #tpu.memory_space<hbm>>
    tpu.wait_dma2 semaphore(%arg18 : memref<!tpu.dma_semaphore, #tpu.memory_space<semaphore_mem>>) src(%arg6 : memref<16x768xf32, #tpu.memory_space<vmem>>) dst(%dma_wait3A_97 : memref<16x768xf32, #tpu.memory_space<hbm>>)
    %dma_wait3A_98 = arith.constant 0 : i32
    %dma_wait3A_99 = arith.constant 0 : i32
    %dma_wait3A_100 = arith.constant 0 : i32
    %dma_wait3A_101 = tpu.memref_slice %arg4[%dma_wait3A_98, %dma_wait3A_99, %dma_wait3A_100] : memref<64x1024x768xf32, #tpu.memory_space<hbm>> -> memref<1x16x768xf32, #tpu.memory_space<hbm>>
    %dma_wait3A_102 = tpu.memref_squeeze %dma_wait3A_101 : memref<1x16x768xf32, #tpu.memory_space<hbm>> -> memref<16x768xf32, #tpu.memory_space<hbm>>
    %dma_wait3A_103 = arith.constant 0 : i32
    %dma_wait3A_104 = arith.constant 0 : i32
    %dma_wait3A_105 = tpu.memref_slice %arg4[%dma_wait3A_98, %dma_wait3A_103, %dma_wait3A_104] : memref<64x1024x768xf32, #tpu.memory_space<hbm>> -> memref<1x16x768xf32, #tpu.memory_space<hbm>>
    %dma_wait3A_106 = tpu.memref_squeeze %dma_wait3A_105 : memref<1x16x768xf32, #tpu.memory_space<hbm>> -> memref<16x768xf32, #tpu.memory_space<hbm>>
    tpu.wait_dma2 semaphore(%arg19 : memref<!tpu.dma_semaphore, #tpu.memory_space<semaphore_mem>>) src(%arg7 : memref<16x768xf32, #tpu.memory_space<vmem>>) dst(%dma_wait3A_106 : memref<16x768xf32, #tpu.memory_space<hbm>>)
    return
  }
}

</mosaic_0001>

<sc_bundles>
// kernel: kernel.3.cloned.1.call-start
scs
__scs_entry_jumppad:
0x0: {  	(pc) =	sbr.rel $0x88, $3  }
0x1: {  	(tag) =	ssettag $0x0;
	lr =	simm.s32 $0x1  }
0x2: {  	[smem:$0x3F9F] =	sst lr;
	_ =	strace $0xD0000000  }
0x3: {  	_ = 	snop  }
0x4: {  	_ = 	snop  }
0x5: {  	_ = 	snop  }
0x6: {  	_ = 	snop  }
0x7: {  	_ = 	snop  }
__scs_overlays_trampoline_lowered:
0x8: {  	[smem:$0x3FAE] =	sst s0  }
0x9: {  	[smem:$0x3FAF] =	sst s1  }
0xa: {  	[smem:$0x3FB0] =	sst s2  }
0xb: {  	[smem:$0x3FB1] =	sst s3  }
0xc: {  	[smem:$0x3FB2] =	sst s4  }
0xd: {  	[smem:$0x3FB3] =	sst s5  }
0xe: {  	[smem:$0x3FB4] =	sst s6  }
0xf: {  	[smem:$0x3FB5] =	sst s7  }
0x10: {  	[smem:$0x3FB6] =	sst s8  }
0x11: {  	[smem:$0x3FB7] =	sst s9;
	s0 =	simm.s32 @!p0 $0x0  }
0x12: {  	s1 =	sld [smem:$0x3F9D];
	s0 =	simm.s32 @p0 $0x1  }
0x13: {  	[smem:$0x3FB8] =	sst s0;
	s0 =	simm.s32 @!p1 $0x0  }
0x14: {  	s2 =	sld [smem:$0x3F9C];
	s0 =	simm.s32 @p1 $0x1  }
0x15: {  	[smem:$0x3FB9] =	sst s0;
	s0 =	simm.s32 @!p2 $0x0  }
0x16: {  	s3 =	sld [smem:$0x3FDB];
	s0 =	simm.s32 @p2 $0x1  }
0x17: {  	s4 =	simm.s32 $0x1BF5;
	[smem:$0x3FBB] =	sst s0  }
0x18: {  	s0 =	sld [smem:$0x3F9E];
	_ =	swait.ge [sflag:s4], $0x0  }
0x19: {  	s7 =	sld [smem:$0x3F9F]  }
0x1a: {  	s8 =	sadd.s32 $0xFFFFE003, lr  }
0x1b: {  	s9 =	sadd.s32 $0xFFFFFEF7, lr;
	s5 =	simm.s32 $0xFFFFFFFF;
	p2 =	slt.u32 s8, $0xFFFFF086  }
0x1c: {  	p1 =	slt.u32 s9, $0xF7A;
	s5 =	simm.s32 @!p2 $0x0  }
0x1d: {  	s5 =	simm.s32 @p1 $0x1;
	p0 =	seq.s32 s7, s2  }
0x1e: {  	s7 =	smul.u32 @!p0 $0xF7A, s2;
	p2 =	seq.s32 @!p0 s5, $0x0  }
0x1f: {  	s9 =	smul.u32 $0xF7A, s1;
	s8 =	simm.s32 @!p0 $0x1BF5;
	p2 =	por !p2, p0  }
0x20: {  	[sflag:s8] =	ssyncset.s32 @!p0 $0xFFFFF086;
	s6 =	sadd.s32 @!p0 s3, s7;
	s7 =	simm.s32 @!p0 $0x108  }
0x21: {  	s3 =	sadd.s32 s3, s9;
	s6 =	sadd.s32 @!p0 $0x88, s6;
	s7 =	simm.s32 @p2 $0x1082  }
0x22: {  	[simem:s7], [sflag:s8] =	dma.local @!p0 [hbm:s6], $0xF7A  }
0x23: {  	s9 =	sor.u32 $0xD0000000, s2;
	s6 =	simm.s32 $0x108;
	_ =	swait.ge @!p0 [sflag:s8], $0x0  }
0x24: {  	s3 =	sadd.s32 $0x88, s3;
	s6 =	simm.s32 @!p1 $0x1082;
	[sflag:s4] =	ssyncset.s32 $0xFFFFF086  }
0x25: {  	[simem:s6], [sflag:s4] =	dma.local [hbm:s3], $0xF7A  }
0x26: {  	[smem:$0x3F9F] =	sst s1;
	(tag) =	ssettag s2;
	_ =	strace s9  }
0x27: {  	s1 =	sld [smem:$0x3FAF]  }
0x28: {  	s2 =	sld [smem:$0x3FB0]  }
0x29: {  	s4 =	sld [smem:$0x3FB2]  }
0x2a: {  	p0 =	seq.s32 s5, $0x0;
	s5 =	sld [smem:$0x3FB3]  }
0x2b: {  	s6 =	sld [smem:$0x3FB4]  }
0x2c: {  	s7 =	sld [smem:$0x3FB5]  }
0x2d: {  	s3 =	simm.s32 $0x108;
	s8 =	sld [smem:$0x3FB6]  }
0x2e: {  	s3 =	simm.s32 @!p0 $0x1082;
	s9 =	sld [smem:$0x3FB7]  }
0x2f: {  	lr =	sadd.s32 s0, s3;
	s0 =	sld [smem:$0x3FAE]  }
0x30: {  	s3 =	sld [smem:$0x3FB1]  }
0x31: {  	[smem:$0x3FBA] =	sst s10  }
0x32: {  	s10 =	sld [smem:$0x3FB8];
	_ =	sdelay $0x3  }
0x33: {  	p0 =	seq.s32 s10, $0x1;
	s10 =	sld [smem:$0x3FBA];
	_ =	sdelay $0x3  }
0x34: {  	[smem:$0x3FBA] =	sst s10  }
0x35: {  	s10 =	sld [smem:$0x3FB9];
	_ =	sdelay $0x3  }
0x36: {  	p1 =	seq.s32 s10, $0x1;
	s10 =	sld [smem:$0x3FBA];
	_ =	sdelay $0x3  }
0x37: {  	[smem:$0x3FBA] =	sst s10  }
0x38: {  	s10 =	sld [smem:$0x3FBB]  }
0x39: {  	_ = 	snop;
	(pc) =	sbr.ind lr, $3  }
0x3a: {  	_ = 	snop  }
0x3b: {  	_ = 	snop  }
0x3c: {  	p2 =	seq.s32 s10, $0x1;
	s10 =	sld [smem:$0x3FBA]  }
0x3d: {  	_ =	shalt  }
0x3e: {  	_ =	shalt  }
0x3f: {  	_ =	shalt  }
0x40: {  	_ =	shalt  }
0x41: {  	_ =	shalt  }
0x42: {  	_ =	shalt  }
0x43: {  	_ =	shalt  }
0x44: {  	_ =	shalt  }
0x45: {  	_ =	shalt  }
0x46: {  	_ =	shalt  }
0x47: {  	_ =	shalt  }
0x48: {  	_ =	shalt  }
0x49: {  	_ =	shalt  }
0x4a: {  	_ =	shalt  }
0x4b: {  	_ =	shalt  }
0x4c: {  	_ =	shalt  }
0x4d: {  	_ =	shalt  }
0x4e: {  	_ =	shalt  }
0x4f: {  	_ =	shalt  }
0x50: {  	_ =	shalt  }
0x51: {  	_ =	shalt  }
0x52: {  	_ =	shalt  }
0x53: {  	_ =	shalt  }
0x54: {  	_ =	shalt  }
0x55: {  	_ =	shalt  }
0x56: {  	_ =	shalt  }
0x57: {  	_ =	shalt  }
0x58: {  	_ =	shalt  }
0x59: {  	_ =	shalt  }
0x5a: {  	_ =	shalt  }
0x5b: {  	_ =	shalt  }
0x5c: {  	_ =	shalt  }
0x5d: {  	_ =	shalt  }
0x5e: {  	_ =	shalt  }
0x5f: {  	_ =	shalt  }
0x60: {  	_ =	shalt  }
0x61: {  	_ =	shalt  }
0x62: {  	_ =	shalt  }
0x63: {  	_ =	shalt  }
0x64: {  	_ =	shalt  }
0x65: {  	_ =	shalt  }
0x66: {  	_ =	shalt  }
0x67: {  	_ =	shalt  }
0x68: {  	_ =	shalt  }
0x69: {  	_ =	shalt  }
0x6a: {  	_ =	shalt  }
0x6b: {  	_ =	shalt  }
0x6c: {  	_ =	shalt  }
0x6d: {  	_ =	shalt  }
0x6e: {  	_ =	shalt  }
0x6f: {  	_ =	shalt  }
0x70: {  	_ =	shalt  }
0x71: {  	_ =	shalt  }
0x72: {  	_ =	shalt  }
0x73: {  	_ =	shalt  }
0x74: {  	_ =	shalt  }
0x75: {  	_ =	shalt  }
0x76: {  	_ =	shalt  }
0x77: {  	_ =	shalt  }
0x78: {  	_ =	shalt  }
0x79: {  	_ =	shalt  }
0x7a: {  	_ =	shalt  }
0x7b: {  	_ =	shalt  }
0x7c: {  	_ =	shalt  }
0x7d: {  	_ =	shalt  }
0x7e: {  	_ =	shalt  }
0x7f: {  	_ =	shalt  }
0x80: {  	_ =	shalt  }
0x81: {  	_ =	shalt  }
0x82: {  	_ =	shalt  }
0x83: {  	_ =	shalt  }
0x84: {  	_ =	shalt  }
0x85: {  	_ =	shalt  }
0x86: {  	_ =	shalt  }
0x87: {  	_ =	shalt  }
.Lfunc_end0:
.L_simem_size_0:
called_computation_lowered:
.L_overlay_start_0:
0x88: {  	s2 =	sld [smem:$0x3FD9]  }
0x89: {  	s3 =	sld [smem:$0x3FFE];
	_ =	sdelay $0x1  }
0x8a: {  	s1 =	srdreg.scid  }
0x8b: {  	s0 =	sand.u32 $0x1, s1  }
0x8c: {  	s18 =	sshll.u32 s0, $0xA;
	s2 =	sadd.s32 s3, s2  }
0x8d: {  	s2 =	sadd.s32 s2, s18  }
0x8e: {  	[smem:$0x3FC6] =	sst s2  }
0x8f: {  	_ = 	snop  }
0x90: {  	s2 =	sld [smem:$0x3FC9]  }
0x91: {  	s19 =	sld [smem:$0x3FC8]  }
0x92: {  	s4 =	sld [smem:$0x3FD0];
	(tm) =	ssettm $0x1  }
0x93: {  	s5 =	sld [smem:$0x3FFB];
	_ =	sdelay $0x3  }
0x94: {  	_ =	strace s5  }
0x95: {  	s5 =	sld [smem:$0x3FFC];
	_ =	sdelay $0x3  }
0x96: {  	_ =	strace s5  }
0x97: {  	s5 =	sld [smem:$0x3FFD];
	_ =	sdelay $0x3  }
0x98: {  	_ =	strace s5  }
0x99: {  	_ =	strace $0x8FFFFFFF  }
0x9a: {  	s20 =	sld [smem:$0x3FDB];
	_ =	sdelay $0x1  }
0x9b: {  	s6 =	simm.s32 $_scs_section_size  }
0x9c: {  	s7 =	simm.s32 $_size__tile_overlayer_lowered;
	s8 =	simm.s32 $_tile_overlayer_lowered  }
0x9d: {  	s23 =	simm.s32 $0x1BFF;
	s22 =	sshll.u32 s8, $0x1;
	s5 =	sadd.s32 s6, s20  }
0x9e: {  	s9 =	simm.s32 $0x0;
	s21 =	sshll.u32 s7, $0x1;
	s7 =	sadd.s32 s22, s5  }
0x9f: {  	[timem:s9], [sflag:s23] =	dma.local [hbm:s7], s21  }
0xa0: {  	_ =	swait.ge [sflag:s23], s21  }
0xa1: {  	s6 =	ssub.s32 $0x0, s21;
	[sflag:s23] =	ssyncset.done $0x0  }
0xa2: {  	[sflag:s23] =	ssyncadd.s32 s6;
	_ =	sdelay $0x1  }
0xa3: {  	s24 =	simm.s32 $0x1B8B  }
0xa4: {  	_ =	swait.ge [sflag:s24], $0x1  }
0xa5: {  	[sflag:s24] =	ssyncset.done $0x0  }
0xa6: {  	s25 =	simm.s32 $0x1B8E;
	[sflag:s24] =	ssyncadd.s32 $0xFFFFFFFF  }
0xa7: {  	s26 =	simm.s32 $execute0_lowered;
	[smem:$0x3FD2] =	sst s25  }
0xa8: {  	s6 =	sshll.u32 s26, $0x1;
	_ =	strace $0x80000046;
	[dreg:$0x1] =	wrdreg $0xFFFFFFFF  }
0xa9: {  	s28 =	simm.s32 $_size_execute0_lowered;
	s5 =	sadd.s32 s5, s6;
	[dreg:$0x0] =	wrdreg $0x0  }
0xaa: {  	s6 =	sshll.u32 s28, $0x1;
	[dreg:$0x2] =	wrdreg s5  }
0xab: {  	[dreg:$0x3] =	wrdreg s6  }
0xac: {  	[dreg:$0x4] =	wrdreg $0xC0  }
0xad: {  	_ =	task [dreg:s9], $0x5FFFF  }
0xae: {  	[dreg:$0x1] =	wrdreg $0xFFFFFFFF  }
0xaf: {  	[dreg:$0x0] =	wrdreg $0x60  }
0xb0: {  	[dreg:$0x2] =	wrdreg s2  }
0xb1: {  	[dreg:$0x3] =	wrdreg s19  }
0xb2: {  	[dreg:$0x4] =	wrdreg s4  }
0xb3: {  	[dreg:$0x5] =	wrdreg $0x9  }
0xb4: {  	_ =	task.clear_ibuf [dreg:s9], $0x6FFFF;
	_ =	strace $0x90000046  }
0xb5: {  	s29 =	simm.s32 $0x9;
	_ =	strace $0x80000048  }
0xb6: {  	_ =	swait.ge [sflag:s29], $0x1  }
0xb7: {  	[sflag:s29] =	ssyncadd.s32 $0xFFFFFFFF  }
0xb8: {  	_ =	strace $0x90000048  }
0xb9: {  	_ =	sfence  }
0xba: {  	s30 =	sld [smem:$0x0];
	_ =	sdelay $0x2  }
0xbb: {  	s31 =	sshll.u32 s1, $0xD;
	s1 =	sshrl.u32 s1, $0x2  }
0xbc: {  	s3 =	sand.u32 $0x4000, s31;
	s1 =	sadd.s32 s1, s30  }
0xbd: {  	s0 =	sor.u32 s3, s0;
	s1 =	sshll.u32 s1, $0x11  }
0xbe: {  	s0 =	sor.u32 s1, s0  }
0xbf: {  	s0 =	sadd.s32 $0x8F2B, s0  }
0xc0: {  	[sflag:s0] =	ssyncadd.remote.s32 $0x1  }
0xc1: {  	_ =	sfence.sel $0xFFFF  }
0xc2: {  	[dreg:$0x0] =	wrdreg $0xFFFFFFFF;
	(pc) =	sbr.abs _section_cstart, $3  }
0xc3: {  	[dreg:$0x1] =	wrdreg $0xFFFFFFFF  }
0xc4: {  	_ =	task.clear_ibuf [dreg:s9], $0x2FFFF;
	_ =	strace $0x9FFFFFFF  }
0xc5: {  	(tm) =	ssettm $0x7FFFFFFF  }
tec
execute0_lowered:
.L_overlay_start_1:
0x0: {  	(tag) =	ssettag $0x1  }
0x1: {  	s0 =	srdreg.scid  }
0x2: {  	s2 =	stileid.u32;
	s0 =	sand.u32 $0x1, s0  }
0x3: {  	s2 =	sshll.u32 s2, $0x6;
	s3 =	sshll.u32 s0, $0x5  }
0x4: {  	s3 =	sor.u32 s3, s2  }
0x5: {  	s1 =	rddreg [dreg:$0x0];
	s0 =	ssub.s32 $0x2, s0;
	s2 =	sshrl.u32 s3, $0x3  }
0x6: {  	s6 =	rddreg [dreg:$0x1];
	s7 =	sshrl.u32 s0, $0x1;
	s2 =	smul.u32 $0x1800, s2  }
0x7: {  	s4 =	rddreg [dreg:$0x2];
	s5 =	simm.s32 $0x0;
	s0 =	ssub.s32 s0, s7  }
0x8: {  	[smem:$0x7FF] =	sst s5;
	s0 =	smax.u32 s0, $0x1;
	s2 =	sshrl.u32 s2, $0x3  }
0x9: {  	_ =	strace $0x80000047;
	[dreg:$0xb] =	wrdreg s0;
	s6 =	sadd.s32 s6, s2  }
0xa: {  	s24 =	sadd.s32 s1, s2;
	[dreg:$0x4] =	wrdreg s6  }
0xb: {  	s25 =	sadd.s32 $0x18000, s24;
	[dreg:$0x5] =	wrdreg s24  }
0xc: {  	s26 =	sadd.s32 $0x18600, s24;
	[dreg:$0x6] =	wrdreg s25  }
0xd: {  	s2 =	sadd.s32 s4, s2;
	s6 =	sadd.s32 $0x600, s24;
	[dreg:$0x7] =	wrdreg s26  }
0xe: {  	s28 =	sadd.s32 $0x5D0600, s2;
	[dreg:$0x8] =	wrdreg s6  }
0xf: {  	s29 =	simm.s32 $0x6000;
	s2 =	sadd.s32 $0x5E8600, s2;
	[dreg:$0x9] =	wrdreg s28  }
0x10: {  	s30 =	simm.s32 $0x9000;
	s31 =	simm.s32 $0xC000;
	[dreg:$0xa] =	wrdreg s2  }
0x11: {  	s25 =	simm.s32 $0x12000;
	s26 =	simm.s32 $0x15000;
	s6 =	simm.s32 $0x0  }
.LBB2_1:
0x12: {  	[dreg:$0xc] =	wrdreg s6  }
0x13: {  	s0 =	rddreg [dreg:$0x4];
	s22 =	simm.s32 $0xD  }
0x14: {  	[tilespmem:s5], [sflag:$0xD] =	stream.linear.gather [hbm4b:s0+s5], $0x6000, $0x38;
	[tilespmem:$0x18000] =	vst v63  }
0x15: {  	_ =	swait.ge [sflag:s22], $0x6000  }
0x16: {  	[sflag:s22] =	ssyncset.done $0x0  }
0x17: {  	s23 =	rddreg [dreg:$0x5];
	[sflag:s22] =	ssyncadd.s32 $0xFFFFA000  }
0x18: {  	[tilespmem:s29], [sflag:$0x1] =	stream.linear.gather [hbm4b:s23+s5], $0x3000, $0x38;
	[tilespmem:$0x18000] =	vst v63  }
0x19: {  	s24 =	rddreg [dreg:$0x6]  }
0x1a: {  	[tilespmem:s30], [sflag:$0x2] =	stream.linear.gather [hbm4b:s24+s5], $0x3000, $0x38;
	[tilespmem:$0x18000] =	vst v63  }
0x1b: {  	s28 =	rddreg [dreg:$0x8]  }
0x1c: {  	[tilespmem:s31], [sflag:$0x3] =	stream.linear.gather [hbm4b:s28+s5], $0x3000, $0x38;
	[tilespmem:$0x18000] =	vst v63  }
0x1d: {  	s2 =	simm.s32 $0xF000;
	s8 =	simm.s32 $0x0;
	s31 =	rddreg [dreg:$0x7]  }
0x1e: {  	[tilespmem:s2], [sflag:$0x4] =	stream.linear.gather [hbm4b:s31+s5], $0x3000, $0x38;
	[tilespmem:$0x18000] =	vst v63  }
.LBB2_2:
0x1f: {  	s0 =	simm.s32 $0x1  }
0x20: {  	_ =	swait.ge [sflag:s0], $0x3000  }
0x21: {  	[sflag:s0] =	ssyncset.done $0x0  }
0x22: {  	s2 =	simm.s32 $0x2;
	[sflag:s0] =	ssyncadd.s32 $0xFFFFD000  }
0x23: {  	s31 =	sshll.u32 s8, $0x4;
	_ =	swait.ge [sflag:s2], $0x3000  }
0x24: {  	s9 =	sand.u32 $0x10, s31;
	[sflag:s2] =	ssyncset.done $0x0  }
0x25: {  	s0 =	simm.s32 $0x0;
	[sflag:s2] =	ssyncadd.s32 $0xFFFFD000;
	s2 =	simm.s32 $0x0  }
.LBB2_3:
0x26: {  	s6 =	sor.u32 s9, s2;
	s10 =	sshrl.u32 s2, $0x3  }
0x27: {  	s6 =	sshrl.u32 s6, $0x3;
	s10 =	smul.u32 $0x1800, s10  }
0x28: {  	s7 =	sshll.u32 s2, $0x7;
	s6 =	smul.u32 $0x6000, s6  }
0x29: {  	s12 =	sand.u32 $0x40, s0;
	s11 =	sand.u32 $0x380, s7  }
0x2a: {  	s22 =	sand.u32 $0x1C00, s0;
	s10 =	sor.u32 s11, s10;
	s6 =	sshra.s32 s6, $0x2  }
0x2b: {  	s23 =	sor.u32 $0x30, s12;
	s16 =	sadd.s32 s10, s22;
	s7 =	sor.u32 s11, s6  }
0x2c: {  	s6 =	sor.u32 s23, s16;
	s15 =	sadd.s32 s22, s7  }
0x2d: {  	v2 =	vld [tilespmem:s6+$0x9000];
	s24 =	sadd.s32 s23, s15  }
0x2e: {  	s13 =	sor.u32 s12, s16;
	v0 =	vld [tilespmem:s24+$0x0]  }
0x2f: {  	v7 =	vld [tilespmem:s13+$0x6000];
	s28 =	sadd.s32 s12, s15  }
0x30: {  	s31 =	sor.u32 $0x10, s12;
	v3 =	vld [tilespmem:s28+$0x0]  }
0x31: {  	s11 =	sor.u32 s31, s16;
	v6 =	vld [tilespmem:s13+$0x9000]  }
0x32: {  	v4 =	vld [tilespmem:s11+$0x6000];
	s14 =	sadd.s32 s31, s15  }
0x33: {  	s12 =	sor.u32 $0x20, s12;
	v1 =	vld [tilespmem:s14+$0x0];
	v8 =	vadd.f32 v2, v0  }
0x34: {  	v5 =	vld [tilespmem:s11+$0x9000];
	s14 =	simm.s32 $0x0;
	s15 =	sadd.s32 s12, s15  }
0x35: {  	s12 =	sor.u32 s12, s16;
	s16 =	simm.s32 $0x40;
	v7 =	vadd.f32 v7, v3;
	v2 =	vld [tilespmem:s15+$0x0];
	s15 =	simm.s32 $0x200;
	[tilespmem:s6+$0x9000] =	vst v8  }
.LBB2_4:
0x36: {  	s17 =	sand.u32 $0x40, s16;
	s18 =	sand.u32 $0x1C00, s15;
	v3 =	vadd.f32 v6, v3;
	v6 =	vld [tilespmem:s12+$0x6000]  }
0x37: {  	s14 =	sadd.s32 $0x4, s14;
	s21 =	sadd.s32 s18, s7;
	s22 =	sor.u32 $0x30, s17;
	[tilespmem:s13+$0x6000] =	vst v7;
	v7 =	vld [tilespmem:s12+$0x9000]  }
0x38: {  	s18 =	sadd.s32 s10, s18;
	p0 =	slt.u32 s14, $0x2C;
	s23 =	sadd.s32 s22, s21;
	[tilespmem:s13+$0x9000] =	vst v3;
	v3 =	vadd.f32 v4, v1;
	v4 =	vld [tilespmem:s6+$0x6000]  }
0x39: {  	s24 =	sor.u32 $0x10, s17;
	s28 =	sor.u32 $0x20, s17;
	s22 =	sor.u32 s22, s18;
	v8 =	vld [tilespmem:s23+$0x0];
	v1 =	vadd.f32 v5, v1  }
0x3a: {  	s13 =	sor.u32 s17, s18;
	s23 =	sadd.s32 s17, s21;
	s17 =	sadd.s32 s24, s21;
	v5 =	vld [tilespmem:s22+$0x9000];
	[tilespmem:s11+$0x6000] =	vst v3  }
0x3b: {  	s21 =	sadd.s32 s28, s21;
	v3 =	vld [tilespmem:s23+$0x0];
	s23 =	sor.u32 s28, s18;
	[tilespmem:s11+$0x9000] =	vst v1;
	s11 =	sor.u32 s24, s18;
	v1 =	vadd.f32 v6, v2  }
0x3c: {  	v9 =	vld [tilespmem:s13+$0x6000];
	v2 =	vadd.f32 v7, v2  }
.Ltmp0:
0x3d: {  	v6 =	vld [tilespmem:s13+$0x9000];
	[tilespmem:s12+$0x6000] =	vst v1;
	v7 =	vadd.f32 v4, v0;
	(pc) =	sbr.rel @p0 .LBB2_4-.Ltmp0, $4  }
0x3e: {  	v1 =	vld [tilespmem:s17+$0x0];
	[tilespmem:s12+$0x9000] =	vst v2;
	v0 =	vmov v8;
	s12 =	smov.u32 s23  }
0x3f: {  	v4 =	vld [tilespmem:s11+$0x6000];
	v8 =	vadd.f32 v5, v0;
	[tilespmem:s6+$0x6000] =	vst v7;
	s6 =	smov.u32 s22  }
0x40: {  	v5 =	vld [tilespmem:s11+$0x9000]  }
0x41: {  	s15 =	sadd.s32 $0x200, s15;
	s16 =	sadd.s32 $0x40, s16;
	v7 =	vadd.f32 v9, v3;
	v2 =	vld [tilespmem:s21+$0x0];
	[tilespmem:s6+$0x9000] =	vst v8  }
0x42: {  	v8 =	vld [tilespmem:s12+$0x6000]  }
0x43: {  	v9 =	vld [tilespmem:s12+$0x9000]  }
0x44: {  	v3 =	vadd.f32 v6, v3;
	v60 =	vld [tilespmem:s6+$0x6000]  }
0x45: {  	s2 =	sadd.s32 $0x1, s2;
	[tilespmem:s13+$0x6000] =	vst v7;
	v4 =	vadd.f32 v4, v1  }
0x46: {  	p0 =	sne.s32 s2, $0x10;
	[tilespmem:s13+$0x9000] =	vst v3;
	v61 =	vadd.f32 v5, v1  }
.Ltmp1:
0x47: {  	[tilespmem:s11+$0x6000] =	vst v4;
	v62 =	vadd.f32 v8, v2;
	(pc) =	sbr.rel @p0 .LBB2_3-.Ltmp1, $4  }
0x48: {  	[tilespmem:s11+$0x9000] =	vst v61;
	v63 =	vadd.f32 v9, v2  }
0x49: {  	v0 =	vadd.f32 v60, v0;
	[tilespmem:s12+$0x6000] =	vst v62  }
0x4a: {  	[tilespmem:s12+$0x9000] =	vst v63  }
0x4b: {  	[tilespmem:s6+$0x6000] =	vst v0  }
0x4c: {  	s7 =	smul.u32 $0x3, s8;
	s2 =	sor.u32 s3, s9  }
0x4d: {  	s23 =	sshrl.u32 s2, $0x3  }
0x4e: {  	s0 =	sshrl.u32 s7, $0x1;
	s11 =	smul.u32 $0x1800, s23  }
0x4f: {  	s10 =	smul.u32 $0x180000, s0;
	_ =	sdelay $0x1  }
0x50: {  	s0 =	sadd.s32 s10, s11  }
0x51: {  	s0 =	sshrl.u32 s0, $0x3  }
0x52: {  	s0 =	sadd.s32 s4, s0  }
0x53: {  	[hbm4b:s0+s5] =	stream.linear.scatter [tilespmem:s29], [sflag:$0x7], $0x3000, $0x38;
	[tilespmem:$0x18000] =	vst v63  }
0x54: {  	p0 =	seq.s32 s8, $0x0;
	s0 =	sadd.s32 $0x18000, s0  }
0x55: {  	[hbm4b:s0+s5] =	stream.linear.scatter [tilespmem:s30], [sflag:$0x8], $0x3000, $0x38;
	[tilespmem:$0x18000] =	vst v63  }
0x56: {  	s24 =	sadd.s32 $0x2, s7;
	s0 =	simm.s32 @!p0 $0xB  }
0x57: {  	s2 =	sshrl.u32 s24, $0x1;
	_ =	swait.ge @!p0 [sflag:s0], $0x3000  }
0x58: {  	s2 =	smul.u32 $0x180000, s2;
	[sflag:s0] =	ssyncset.done @!p0 $0x0  }
0x59: {  	[sflag:s0] =	ssyncadd.s32 @!p0 $0xFFFFD000;
	s0 =	simm.s32 @!p0 $0xC  }
0x5a: {  	s2 =	sadd.s32 s2, s11;
	_ =	swait.ge @!p0 [sflag:s0], $0x3000  }
0x5b: {  	s14 =	simm.s32 $0x0;
	s12 =	sshrl.u32 s2, $0x3;
	[sflag:s0] =	ssyncset.done @!p0 $0x0  }
0x5c: {  	s28 =	sadd.s32 s1, s12;
	s13 =	sadd.s32 $0x18000, s12;
	[sflag:s0] =	ssyncadd.s32 @!p0 $0xFFFFD000  }
0x5d: {  	[tilespmem:s25], [sflag:$0x5] =	stream.linear.gather [hbm4b:s28+s14], $0x3000, $0x38;
	[tilespmem:$0x18000] =	vst v63  }
0x5e: {  	s29 =	sadd.s32 s1, s13;
	s30 =	simm.s32 $0x3  }
0x5f: {  	[tilespmem:s26], [sflag:$0x6] =	stream.linear.gather [hbm4b:s29+s14], $0x3000, $0x38;
	[tilespmem:$0x18000] =	vst v63  }
0x60: {  	_ =	swait.ge [sflag:s30], $0x3000  }
0x61: {  	[sflag:s30] =	ssyncset.done $0x0  }
0x62: {  	s6 =	simm.s32 $0x4;
	[sflag:s30] =	ssyncadd.s32 $0xFFFFD000  }
0x63: {  	s2 =	sadd.s32 $0x1, s7;
	_ =	swait.ge [sflag:s6], $0x3000  }
0x64: {  	s31 =	sshll.u32 s2, $0x4;
	[sflag:s6] =	ssyncset.done $0x0  }
0x65: {  	s0 =	sand.u32 $0x10, s31;
	[sflag:s6] =	ssyncadd.s32 $0xFFFFD000;
	s6 =	simm.s32 $0x0  }
.LBB2_7:
0x66: {  	s15 =	sor.u32 s0, s6;
	s17 =	sshrl.u32 s6, $0x3  }
0x67: {  	s15 =	sshrl.u32 s15, $0x3;
	s17 =	smul.u32 $0x1800, s17  }
0x68: {  	s16 =	sshll.u32 s6, $0x7;
	s15 =	smul.u32 $0x6000, s15  }
0x69: {  	s25 =	sand.u32 $0x40, s14;
	s16 =	sand.u32 $0x380, s16  }
0x6a: {  	s22 =	sand.u32 $0x1C00, s14;
	s21 =	sor.u32 s16, s17;
	s15 =	sshra.s32 s15, $0x2  }
0x6b: {  	s26 =	sor.u32 $0x30, s25;
	s28 =	sadd.s32 s21, s22;
	s18 =	sor.u32 s16, s15  }
0x6c: {  	s17 =	sor.u32 s26, s28;
	s24 =	sadd.s32 s22, s18  }
0x6d: {  	v2 =	vld [tilespmem:s17+$0xF000];
	s29 =	sadd.s32 s26, s24  }
0x6e: {  	s16 =	sor.u32 s25, s28;
	v0 =	vld [tilespmem:s29+$0x0]  }
0x6f: {  	v7 =	vld [tilespmem:s16+$0xC000];
	s30 =	sadd.s32 s25, s24  }
0x70: {  	s31 =	sor.u32 $0x10, s25;
	v3 =	vld [tilespmem:s30+$0x0]  }
0x71: {  	v6 =	vld [tilespmem:s16+$0xF000];
	s22 =	sor.u32 s31, s28  }
0x72: {  	s23 =	sadd.s32 s31, s24;
	v4 =	vld [tilespmem:s22+$0xC000]  }
0x73: {  	s15 =	sor.u32 $0x20, s25;
	v1 =	vld [tilespmem:s23+$0x0];
	v8 =	vadd.f32 v2, v0  }
0x74: {  	s24 =	sadd.s32 s15, s24;
	v5 =	vld [tilespmem:s22+$0xF000];
	s15 =	sor.u32 s15, s28  }
0x75: {  	s28 =	simm.s32 $0x40;
	s23 =	simm.s32 $0x0;
	v7 =	vadd.f32 v7, v3;
	v2 =	vld [tilespmem:s24+$0x0];
	s24 =	simm.s32 $0x200;
	[tilespmem:s17+$0xF000] =	vst v8  }
.LBB2_8:
0x76: {  	s29 =	sand.u32 $0x40, s28;
	s30 =	sand.u32 $0x1C00, s24;
	v3 =	vadd.f32 v6, v3;
	v6 =	vld [tilespmem:s15+$0xC000]  }
0x77: {  	s23 =	sadd.s32 $0x4, s23;
	s31 =	sadd.s32 s30, s18;
	s19 =	sor.u32 $0x30, s29;
	[tilespmem:s16+$0xC000] =	vst v7;
	v7 =	vld [tilespmem:s15+$0xF000]  }
0x78: {  	s30 =	sadd.s32 s21, s30;
	p0 =	slt.u32 s23, $0x2C;
	s20 =	sadd.s32 s19, s31;
	[tilespmem:s16+$0xF000] =	vst v3;
	v3 =	vadd.f32 v4, v1;
	v4 =	vld [tilespmem:s17+$0xC000]  }
0x79: {  	s25 =	sor.u32 $0x10, s29;
	s26 =	sor.u32 $0x20, s29;
	s19 =	sor.u32 s19, s30;
	v8 =	vld [tilespmem:s20+$0x0];
	v1 =	vadd.f32 v5, v1  }
0x7a: {  	s16 =	sor.u32 s29, s30;
	s20 =	sadd.s32 s29, s31;
	s29 =	sadd.s32 s25, s31;
	v5 =	vld [tilespmem:s19+$0xF000];
	[tilespmem:s22+$0xC000] =	vst v3  }
0x7b: {  	v3 =	vld [tilespmem:s20+$0x0];
	s20 =	sadd.s32 s26, s31;
	s26 =	sor.u32 s26, s30;
	[tilespmem:s22+$0xF000] =	vst v1;
	s22 =	sor.u32 s25, s30;
	v1 =	vadd.f32 v6, v2  }
0x7c: {  	v9 =	vld [tilespmem:s16+$0xC000];
	v2 =	vadd.f32 v7, v2  }
.Ltmp2:
0x7d: {  	v6 =	vld [tilespmem:s16+$0xF000];
	[tilespmem:s15+$0xC000] =	vst v1;
	v7 =	vadd.f32 v4, v0;
	(pc) =	sbr.rel @p0 .LBB2_8-.Ltmp2, $4  }
0x7e: {  	v1 =	vld [tilespmem:s29+$0x0];
	[tilespmem:s15+$0xF000] =	vst v2;
	v0 =	vmov v8;
	s15 =	smov.u32 s26  }
0x7f: {  	v4 =	vld [tilespmem:s22+$0xC000];
	v8 =	vadd.f32 v5, v0;
	[tilespmem:s17+$0xC000] =	vst v7;
	s17 =	smov.u32 s19  }
0x80: {  	v5 =	vld [tilespmem:s22+$0xF000]  }
0x81: {  	s24 =	sadd.s32 $0x200, s24;
	s28 =	sadd.s32 $0x40, s28;
	v7 =	vadd.f32 v9, v3;
	v2 =	vld [tilespmem:s20+$0x0];
	[tilespmem:s17+$0xF000] =	vst v8  }
0x82: {  	v8 =	vld [tilespmem:s15+$0xC000]  }
0x83: {  	v9 =	vld [tilespmem:s15+$0xF000]  }
0x84: {  	v3 =	vadd.f32 v6, v3;
	v60 =	vld [tilespmem:s17+$0xC000]  }
0x85: {  	s6 =	sadd.s32 $0x1, s6;
	[tilespmem:s16+$0xC000] =	vst v7;
	v4 =	vadd.f32 v4, v1  }
0x86: {  	p0 =	sne.s32 s6, $0x10;
	[tilespmem:s16+$0xF000] =	vst v3;
	v61 =	vadd.f32 v5, v1  }
.Ltmp3:
0x87: {  	[tilespmem:s22+$0xC000] =	vst v4;
	v62 =	vadd.f32 v8, v2;
	(pc) =	sbr.rel @p0 .LBB2_7-.Ltmp3, $4  }
0x88: {  	[tilespmem:s22+$0xF000] =	vst v61;
	v63 =	vadd.f32 v9, v2  }
0x89: {  	v0 =	vadd.f32 v60, v0;
	[tilespmem:s15+$0xC000] =	vst v62  }
0x8a: {  	[tilespmem:s15+$0xF000] =	vst v63  }
0x8b: {  	[tilespmem:s17+$0xC000] =	vst v0  }
0x8c: {  	s2 =	sshrl.u32 s2, $0x1;
	s0 =	sor.u32 s3, s0  }
0x8d: {  	s2 =	smul.u32 $0x180000, s2;
	s0 =	sshrl.u32 s0, $0x3  }
0x8e: {  	s0 =	smul.u32 $0x1800, s0  }
0x8f: {  	s23 =	sadd.s32 $0x3, s7  }
0x90: {  	s14 =	simm.s32 $0x0;
	s24 =	sshll.u32 s23, $0x4;
	s0 =	sadd.s32 s2, s0  }
0x91: {  	s31 =	simm.s32 $0xC000;
	s2 =	sand.u32 $0x10, s24;
	s0 =	sshrl.u32 s0, $0x3  }
0x92: {  	s22 =	simm.s32 $0xF000;
	s2 =	sor.u32 s3, s2;
	s0 =	sadd.s32 s4, s0  }
0x93: {  	[hbm4b:s0+s14] =	stream.linear.scatter [tilespmem:s31], [sflag:$0x9], $0x3000, $0x38;
	[tilespmem:$0x18000] =	vst v63  }
0x94: {  	s6 =	simm.s32 $0x7;
	s2 =	sshrl.u32 s2, $0x3;
	s0 =	sadd.s32 $0x18000, s0  }
0x95: {  	[hbm4b:s0+s14] =	stream.linear.scatter [tilespmem:s22], [sflag:$0xA], $0x3000, $0x38;
	[tilespmem:$0x18000] =	vst v63  }
0x96: {  	s2 =	smul.u32 $0x1800, s2;
	s0 =	sshrl.u32 s23, $0x1;
	_ =	swait.ge [sflag:s6], $0x3000  }
0x97: {  	s0 =	smul.u32 $0x180000, s0;
	[sflag:s6] =	ssyncset.done $0x0  }
0x98: {  	s25 =	simm.s32 $0x8;
	[sflag:s6] =	ssyncadd.s32 $0xFFFFD000  }
0x99: {  	s0 =	sadd.s32 s0, s2;
	_ =	swait.ge [sflag:s25], $0x3000  }
0x9a: {  	s0 =	sshrl.u32 s0, $0x3;
	[sflag:s25] =	ssyncset.done $0x0  }
0x9b: {  	s29 =	simm.s32 $0x6000;
	s0 =	sadd.s32 s1, s0;
	[sflag:s25] =	ssyncadd.s32 $0xFFFFD000  }
0x9c: {  	[tilespmem:s29], [sflag:$0x1] =	stream.linear.gather [hbm4b:s0+s14], $0x3000, $0x38;
	[tilespmem:$0x18000] =	vst v63  }
0x9d: {  	s30 =	simm.s32 $0x9000;
	s26 =	simm.s32 $0x5;
	s0 =	sadd.s32 $0x18000, s0  }
0x9e: {  	[tilespmem:s30], [sflag:$0x2] =	stream.linear.gather [hbm4b:s0+s14], $0x3000, $0x38;
	[tilespmem:$0x18000] =	vst v63  }
0x9f: {  	_ =	swait.ge [sflag:s26], $0x3000  }
0xa0: {  	[sflag:s26] =	ssyncset.done $0x0  }
0xa1: {  	s28 =	simm.s32 $0x6;
	[sflag:s26] =	ssyncadd.s32 $0xFFFFD000  }
0xa2: {  	_ =	swait.ge [sflag:s28], $0x3000  }
0xa3: {  	[sflag:s28] =	ssyncset.done $0x0  }
0xa4: {  	s0 =	simm.s32 $0x0;
	[sflag:s28] =	ssyncadd.s32 $0xFFFFD000  }
.LBB2_11:
0xa5: {  	s2 =	sor.u32 s9, s0;
	s7 =	sshrl.u32 s0, $0x3  }
0xa6: {  	s2 =	sshrl.u32 s2, $0x3;
	s7 =	smul.u32 $0x1800, s7  }
0xa7: {  	s6 =	sshll.u32 s0, $0x7;
	s2 =	smul.u32 $0x6000, s2  }
0xa8: {  	s18 =	sand.u32 $0x40, s14;
	s15 =	sand.u32 $0x380, s6  }
0xa9: {  	s23 =	sand.u32 $0x1C00, s14;
	s7 =	sor.u32 s15, s7;
	s2 =	sshra.s32 s2, $0x2  }
0xaa: {  	s16 =	sor.u32 $0x30, s18;
	s19 =	sadd.s32 s7, s23;
	s6 =	sor.u32 s15, s2  }
0xab: {  	s2 =	sor.u32 s16, s19;
	s24 =	sadd.s32 s23, s6  }
0xac: {  	v2 =	vld [tilespmem:s2+$0x15000];
	s25 =	sadd.s32 s16, s24  }
0xad: {  	s17 =	sadd.s32 s18, s24;
	v0 =	vld [tilespmem:s25+$0x0]  }
0xae: {  	s16 =	sor.u32 s18, s19;
	v3 =	vld [tilespmem:s17+$0x0]  }
0xaf: {  	s26 =	sor.u32 $0x10, s18;
	v7 =	vld [tilespmem:s16+$0x12000]  }
0xb0: {  	s20 =	sadd.s32 s26, s24;
	v6 =	vld [tilespmem:s16+$0x15000]  }
0xb1: {  	s17 =	sor.u32 s26, s19;
	v1 =	vld [tilespmem:s20+$0x0]  }
0xb2: {  	s28 =	sor.u32 $0x20, s18;
	v4 =	vld [tilespmem:s17+$0x12000];
	v8 =	vadd.f32 v2, v0  }
0xb3: {  	s22 =	simm.s32 $0x40;
	s21 =	sadd.s32 s28, s24;
	v5 =	vld [tilespmem:s17+$0x15000]  }
0xb4: {  	s15 =	sor.u32 s28, s19;
	s18 =	simm.s32 $0x0;
	v7 =	vadd.f32 v7, v3;
	v2 =	vld [tilespmem:s21+$0x0];
	s21 =	simm.s32 $0x200;
	[tilespmem:s2+$0x15000] =	vst v8  }
.LBB2_12:
0xb5: {  	s19 =	sand.u32 $0x40, s22;
	s20 =	sand.u32 $0x1C00, s21;
	v3 =	vadd.f32 v6, v3;
	v6 =	vld [tilespmem:s15+$0x12000]  }
0xb6: {  	s18 =	sadd.s32 $0x4, s18;
	s23 =	sadd.s32 s20, s6;
	s24 =	sor.u32 $0x30, s19;
	[tilespmem:s16+$0x12000] =	vst v7;
	v7 =	vld [tilespmem:s15+$0x15000]  }
0xb7: {  	s20 =	sadd.s32 s7, s20;
	p0 =	slt.u32 s18, $0x2C;
	s25 =	sadd.s32 s24, s23;
	[tilespmem:s16+$0x15000] =	vst v3;
	v3 =	vadd.f32 v4, v1;
	v4 =	vld [tilespmem:s2+$0x12000]  }
0xb8: {  	s26 =	sor.u32 $0x10, s19;
	s28 =	sor.u32 $0x20, s19;
	s24 =	sor.u32 s24, s20;
	v8 =	vld [tilespmem:s25+$0x0];
	v1 =	vadd.f32 v5, v1  }
0xb9: {  	s16 =	sor.u32 s19, s20;
	s25 =	sadd.s32 s19, s23;
	s19 =	sadd.s32 s26, s23;
	v5 =	vld [tilespmem:s24+$0x15000];
	[tilespmem:s17+$0x12000] =	vst v3  }
0xba: {  	s23 =	sadd.s32 s28, s23;
	v3 =	vld [tilespmem:s25+$0x0];
	s25 =	sor.u32 s28, s20;
	[tilespmem:s17+$0x15000] =	vst v1;
	s17 =	sor.u32 s26, s20;
	v1 =	vadd.f32 v6, v2  }
0xbb: {  	v9 =	vld [tilespmem:s16+$0x12000];
	v2 =	vadd.f32 v7, v2  }
.Ltmp4:
0xbc: {  	v6 =	vld [tilespmem:s16+$0x15000];
	[tilespmem:s15+$0x12000] =	vst v1;
	v7 =	vadd.f32 v4, v0;
	(pc) =	sbr.rel @p0 .LBB2_12-.Ltmp4, $4  }
0xbd: {  	v1 =	vld [tilespmem:s19+$0x0];
	[tilespmem:s15+$0x15000] =	vst v2;
	v0 =	vmov v8;
	s15 =	smov.u32 s25  }
0xbe: {  	v4 =	vld [tilespmem:s17+$0x12000];
	v8 =	vadd.f32 v5, v0;
	[tilespmem:s2+$0x12000] =	vst v7;
	s2 =	smov.u32 s24  }
0xbf: {  	v5 =	vld [tilespmem:s17+$0x15000]  }
0xc0: {  	s21 =	sadd.s32 $0x200, s21;
	s22 =	sadd.s32 $0x40, s22;
	v7 =	vadd.f32 v9, v3;
	v2 =	vld [tilespmem:s23+$0x0];
	[tilespmem:s2+$0x15000] =	vst v8  }
0xc1: {  	v8 =	vld [tilespmem:s15+$0x12000]  }
0xc2: {  	v9 =	vld [tilespmem:s15+$0x15000]  }
0xc3: {  	v3 =	vadd.f32 v6, v3;
	v60 =	vld [tilespmem:s2+$0x12000]  }
0xc4: {  	s0 =	sadd.s32 $0x1, s0;
	[tilespmem:s16+$0x12000] =	vst v7;
	v4 =	vadd.f32 v4, v1  }
0xc5: {  	p0 =	sne.s32 s0, $0x10;
	[tilespmem:s16+$0x15000] =	vst v3;
	v61 =	vadd.f32 v5, v1  }
.Ltmp5:
0xc6: {  	[tilespmem:s17+$0x12000] =	vst v4;
	v62 =	vadd.f32 v8, v2;
	(pc) =	sbr.rel @p0 .LBB2_11-.Ltmp5, $4  }
0xc7: {  	[tilespmem:s17+$0x15000] =	vst v61;
	v63 =	vadd.f32 v9, v2  }
0xc8: {  	v0 =	vadd.f32 v60, v0;
	[tilespmem:s15+$0x12000] =	vst v62  }
0xc9: {  	[tilespmem:s15+$0x15000] =	vst v63  }
0xca: {  	[tilespmem:s2+$0x12000] =	vst v0  }
0xcb: {  	s0 =	sadd.s32 s4, s12;
	s25 =	simm.s32 $0x12000  }
0xcc: {  	[hbm4b:s0+s5] =	stream.linear.scatter [tilespmem:s25], [sflag:$0xB], $0x3000, $0x38;
	[tilespmem:$0x18000] =	vst v63  }
0xcd: {  	s23 =	sadd.s32 s4, s13;
	s26 =	simm.s32 $0x15000;
	s24 =	simm.s32 $0x9  }
0xce: {  	[hbm4b:s23+s5] =	stream.linear.scatter [tilespmem:s26], [sflag:$0xC], $0x3000, $0x38;
	[tilespmem:$0x18000] =	vst v63  }
0xcf: {  	p0 =	seq.s32 s8, $0x14;
	_ =	swait.ge [sflag:s24], $0x3000  }
.Ltmp6:
0xd0: {  	[sflag:s24] =	ssyncset.done $0x0;
	(pc) =	sbr.rel @p0 .LBB2_16-.Ltmp6, $4  }
0xd1: {  	s28 =	simm.s32 $0xA;
	[sflag:s24] =	ssyncadd.s32 $0xFFFFD000  }
0xd2: {  	_ =	swait.ge [sflag:s28], $0x3000  }
0xd3: {  	[sflag:s28] =	ssyncset.done $0x0  }
0xd4: {  	[sflag:s28] =	ssyncadd.s32 $0xFFFFD000  }
0xd5: {  	s0 =	sadd.s32 s11, s10  }
0xd6: {  	s0 =	sadd.s32 $0x300000, s0  }
.Ltmp7:
0xd7: {  	s0 =	sshrl.u32 s0, $0x3;
	(pc) =	sbr.rel .LBB2_2-.Ltmp7, $4  }
0xd8: {  	s0 =	sadd.s32 s1, s0  }
0xd9: {  	[tilespmem:s31], [sflag:$0x3] =	stream.linear.gather [hbm4b:s0+s5], $0x3000, $0x38;
	[tilespmem:$0x18000] =	vst v63  }
0xda: {  	s2 =	simm.s32 $0xF000;
	s8 =	sadd.s32 $0x1, s8;
	s0 =	sadd.s32 $0x18000, s0  }
0xdb: {  	[tilespmem:s2], [sflag:$0x4] =	stream.linear.gather [hbm4b:s0+s5], $0x3000, $0x38;
	[tilespmem:$0x18000] =	vst v63  }
.LBB2_16:
0xdc: {  	s0 =	simm.s32 $0x1  }
0xdd: {  	_ =	swait.ge [sflag:s0], $0x3000  }
0xde: {  	[sflag:s0] =	ssyncset.done $0x0  }
0xdf: {  	s28 =	simm.s32 $0x2;
	[sflag:s0] =	ssyncadd.s32 $0xFFFFD000  }
0xe0: {  	_ =	swait.ge [sflag:s28], $0x3000  }
0xe1: {  	[sflag:s28] =	ssyncset.done $0x0  }
0xe2: {  	s2 =	simm.s32 $0x0;
	s0 =	simm.s32 $0x0;
	[sflag:s28] =	ssyncadd.s32 $0xFFFFD000  }
.LBB2_17:
0xe3: {  	s6 =	sshrl.u32 s2, $0x3  }
0xe4: {  	s7 =	sshll.u32 s2, $0x7;
	s6 =	smul.u32 $0x1800, s6  }
0xe5: {  	s7 =	sand.u32 $0x380, s7  }
0xe6: {  	s10 =	sand.u32 $0x40, s0;
	s22 =	sand.u32 $0x1C00, s0;
	s7 =	sor.u32 s7, s6  }
0xe7: {  	s9 =	sor.u32 $0x30, s10;
	s8 =	sadd.s32 $0x3000, s7;
	s14 =	sadd.s32 s7, s22  }
0xe8: {  	s13 =	sadd.s32 s22, s8;
	s6 =	sor.u32 s9, s14  }
0xe9: {  	s23 =	sadd.s32 s9, s13;
	v2 =	vld [tilespmem:s6+$0x9000]  }
0xea: {  	s11 =	sor.u32 s10, s14;
	v0 =	vld [tilespmem:s23+$0x0]  }
0xeb: {  	s24 =	sadd.s32 s10, s13;
	v7 =	vld [tilespmem:s11+$0x6000]  }
0xec: {  	s28 =	sor.u32 $0x10, s10;
	v3 =	vld [tilespmem:s24+$0x0]  }
0xed: {  	s12 =	sadd.s32 s28, s13;
	v6 =	vld [tilespmem:s11+$0x9000]  }
0xee: {  	s9 =	sor.u32 s28, s14;
	v1 =	vld [tilespmem:s12+$0x0]  }
0xef: {  	s10 =	sor.u32 $0x20, s10;
	v4 =	vld [tilespmem:s9+$0x6000];
	v8 =	vadd.f32 v2, v0  }
0xf0: {  	s12 =	simm.s32 $0x0;
	s13 =	sadd.s32 s10, s13;
	v5 =	vld [tilespmem:s9+$0x9000]  }
0xf1: {  	s10 =	sor.u32 s10, s14;
	s14 =	simm.s32 $0x40;
	v7 =	vadd.f32 v7, v3;
	v2 =	vld [tilespmem:s13+$0x0];
	s13 =	simm.s32 $0x200;
	[tilespmem:s6+$0x9000] =	vst v8  }
.LBB2_18:
0xf2: {  	s15 =	sand.u32 $0x40, s14;
	s16 =	sand.u32 $0x1C00, s13;
	v3 =	vadd.f32 v6, v3;
	v6 =	vld [tilespmem:s10+$0x6000]  }
0xf3: {  	s12 =	sadd.s32 $0x4, s12;
	s17 =	sadd.s32 s16, s8;
	s18 =	sor.u32 $0x30, s15;
	[tilespmem:s11+$0x6000] =	vst v7;
	v7 =	vld [tilespmem:s10+$0x9000]  }
0xf4: {  	s16 =	sadd.s32 s7, s16;
	p0 =	slt.u32 s12, $0x2C;
	s19 =	sadd.s32 s18, s17;
	[tilespmem:s11+$0x9000] =	vst v3;
	v3 =	vadd.f32 v4, v1;
	v4 =	vld [tilespmem:s6+$0x6000]  }
0xf5: {  	s20 =	sor.u32 $0x10, s15;
	s21 =	sor.u32 $0x20, s15;
	s18 =	sor.u32 s18, s16;
	v8 =	vld [tilespmem:s19+$0x0];
	v1 =	vadd.f32 v5, v1  }
0xf6: {  	s11 =	sor.u32 s15, s16;
	s19 =	sadd.s32 s15, s17;
	s15 =	sadd.s32 s20, s17;
	v5 =	vld [tilespmem:s18+$0x9000];
	[tilespmem:s9+$0x6000] =	vst v3  }
0xf7: {  	s17 =	sadd.s32 s21, s17;
	v3 =	vld [tilespmem:s19+$0x0];
	s19 =	sor.u32 s21, s16;
	[tilespmem:s9+$0x9000] =	vst v1;
	s9 =	sor.u32 s20, s16;
	v1 =	vadd.f32 v6, v2  }
0xf8: {  	v9 =	vld [tilespmem:s11+$0x6000];
	v2 =	vadd.f32 v7, v2  }
.Ltmp8:
0xf9: {  	v6 =	vld [tilespmem:s11+$0x9000];
	[tilespmem:s10+$0x6000] =	vst v1;
	v7 =	vadd.f32 v4, v0;
	(pc) =	sbr.rel @p0 .LBB2_18-.Ltmp8, $4  }
0xfa: {  	v1 =	vld [tilespmem:s15+$0x0];
	[tilespmem:s10+$0x9000] =	vst v2;
	v0 =	vmov v8;
	s10 =	smov.u32 s19  }
0xfb: {  	v4 =	vld [tilespmem:s9+$0x6000];
	v8 =	vadd.f32 v5, v0;
	[tilespmem:s6+$0x6000] =	vst v7;
	s6 =	smov.u32 s18  }
0xfc: {  	v5 =	vld [tilespmem:s9+$0x9000]  }
0xfd: {  	s13 =	sadd.s32 $0x200, s13;
	s14 =	sadd.s32 $0x40, s14;
	v7 =	vadd.f32 v9, v3;
	v2 =	vld [tilespmem:s17+$0x0];
	[tilespmem:s6+$0x9000] =	vst v8  }
0xfe: {  	v8 =	vld [tilespmem:s10+$0x6000]  }
0xff: {  	v9 =	vld [tilespmem:s10+$0x9000]  }
0x100: {  	v3 =	vadd.f32 v6, v3;
	v60 =	vld [tilespmem:s6+$0x6000]  }
0x101: {  	s2 =	sadd.s32 $0x1, s2;
	[tilespmem:s11+$0x6000] =	vst v7;
	v4 =	vadd.f32 v4, v1  }
0x102: {  	p0 =	sne.s32 s2, $0x10;
	[tilespmem:s11+$0x9000] =	vst v3;
	v61 =	vadd.f32 v5, v1  }
.Ltmp9:
0x103: {  	[tilespmem:s9+$0x6000] =	vst v4;
	v62 =	vadd.f32 v8, v2;
	(pc) =	sbr.rel @p0 .LBB2_17-.Ltmp9, $4  }
0x104: {  	[tilespmem:s9+$0x9000] =	vst v61;
	v63 =	vadd.f32 v9, v2  }
0x105: {  	v0 =	vadd.f32 v60, v0;
	[tilespmem:s10+$0x6000] =	vst v62  }
0x106: {  	[tilespmem:s10+$0x9000] =	vst v63  }
0x107: {  	[tilespmem:s6+$0x6000] =	vst v0  }
0x108: {  	s0 =	rddreg [dreg:$0x9]  }
0x109: {  	[hbm4b:s0+s5] =	stream.linear.scatter [tilespmem:s29], [sflag:$0x7], $0x3000, $0x38;
	[tilespmem:$0x18000] =	vst v63  }
0x10a: {  	s21 =	rddreg [dreg:$0xa];
	s22 =	simm.s32 $0xB  }
0x10b: {  	[hbm4b:s21+s5] =	stream.linear.scatter [tilespmem:s30], [sflag:$0x8], $0x3000, $0x38;
	[tilespmem:$0x18000] =	vst v63  }
0x10c: {  	_ =	swait.ge [sflag:s22], $0x3000  }
0x10d: {  	[sflag:s22] =	ssyncset.done $0x0  }
0x10e: {  	s23 =	simm.s32 $0xC;
	[sflag:s22] =	ssyncadd.s32 $0xFFFFD000  }
0x10f: {  	_ =	swait.ge [sflag:s23], $0x3000  }
0x110: {  	[sflag:s23] =	ssyncset.done $0x0  }
0x111: {  	s24 =	simm.s32 $0x7;
	[sflag:s23] =	ssyncadd.s32 $0xFFFFD000  }
0x112: {  	_ =	swait.ge [sflag:s24], $0x3000  }
0x113: {  	[sflag:s24] =	ssyncset.done $0x0  }
0x114: {  	s2 =	simm.s32 $0x8;
	[sflag:s24] =	ssyncadd.s32 $0xFFFFD000  }
0x115: {  	_ =	swait.ge [sflag:s2], $0x3000  }
0x116: {  	s6 =	rddreg [dreg:$0xc]  }
0x117: {  	s28 =	rddreg [dreg:$0xb];
	s6 =	sadd.s32 $0x1, s6  }
0x118: {  	p0 =	sne.s32 s6, s28  }
.Ltmp10:
0x119: {  	_ = 	snop;
	(pc) =	sbr.rel @p0 .LBB2_1-.Ltmp10, $3  }
0x11a: {  	_ =	sdelay $0x1  }
0x11b: {  	[sflag:s2] =	ssyncset.done $0x0  }
0x11c: {  	[sflag:s2] =	ssyncadd.s32 $0xFFFFD000  }
0x11d: {  	_ =	sfence.sel $0x180000  }
0x11e: {  	[bflag:$0x0] =	sbarrier.arrive $0xFFFF  }
0x11f: {  	_ =	strace $0x90000047  }
0x120: {  	s0 =	stileid.u32;
	[bflag:$0x2] =	sbarrier.arrive $0xFFFF  }
0x121: {  	p0 =	sne.s32 s0, $0x0;
	s0 =	rddreg [dreg:$0x3]  }
0x122: {  	s0 =	sadd.s32 @!p0 $0x100000, s0  }
0x123: {  	[sflag:s0] =	ssyncadd.tile.s32 @!p0 $0x1;
	_ =	shalt  }
.Lfunc_end2:
_tile_overlayer_lowered:
.L_overlay_start_2:
0x124: {  	(tag) =	ssettag $0x2  }
0x125: {  	s0 =	rddreg [dreg:$0x0];
	s2 =	stileid.u32  }
0x126: {  	s1 =	rddreg [dreg:$0x1];
	p0 =	sne.s32 s2, $0x0  }
0x127: {  	s3 =	rddreg [dreg:$0x2];
	[bflag:$0x3] =	sbarrier.arrive $0xFFFF;
	s2 =	simm.s32 @!p0 $0x1C0D  }
0x128: {  	[timem:s3], [sflag:s2] =	dma.local @!p0 [hbm:s0], s1  }
0x129: {  	s0 =	simm.s32 @!p0 $0xD  }
0x12a: {  	_ =	swait.ge @!p0 [sflag:s0], s1  }
0x12b: {  	s1 =	ssub.s32 @!p0 $0x0, s1;
	[sflag:s0] =	ssyncset.done @!p0 $0x0  }
0x12c: {  	[sflag:s0] =	ssyncadd.s32 @!p0 s1  }
0x12d: {  	[bflag:$0x3] =	sbarrier.arrive $0xFFFF  }
0x12e: {  	_ =	shalt  }

</sc_bundles>
